<compile_context>
chip_gen: v7x
topology: tpu7x:2x2x1
jax: 0.10.2.dev20260603
libtpu: 0.0.44.dev20260713+nightly
codegen_flags: <defaults>
</compile_context>

<pallas_src>
import functools

import jax
import jax.numpy as jnp
from jax import lax
from jax.experimental import pallas as pl
from jax.experimental.pallas import tpu as pltpu
from jax.experimental.pallas import tpu_sc as plsc

POOL = 16384
N_IN = 65536
NC = 2
NS = 16
NW = NC * NS
L = 16

FEAT_ROWS = 8 * 128
COORD_ROWS = 8 * 3
ROWS_PER_W = FEAT_ROWS // NW


def _sc_gather(feat2d, coord2d, idx):
    mesh = plsc.VectorSubcoreMesh(core_axis_name="c", subcore_axis_name="s")

    @functools.partial(
        pl.kernel,
        out_type=(
            jax.ShapeDtypeStruct((FEAT_ROWS, POOL), jnp.float32),
            jax.ShapeDtypeStruct((COORD_ROWS, POOL), jnp.float32),
        ),
        mesh=mesh,
        scratch_types=[
            pltpu.VMEM((POOL,), jnp.int32),
            pltpu.VMEM((N_IN,), jnp.float32),
            pltpu.VMEM((2, POOL), jnp.float32),
            pltpu.SemaphoreType.DMA,
            pltpu.SemaphoreType.DMA,
            pltpu.SemaphoreType.DMA,
        ],
        compiler_params=pltpu.CompilerParams(needs_layout_passes=False),
    )
    def k(feat_hbm, coord_hbm, idx_hbm, outf_hbm, outc_hbm,
          idx_v, row_v, out_v, sem_in, sem_o0, sem_o1):
        wid = lax.axis_index("s") * NC + lax.axis_index("c")
        pltpu.sync_copy(idx_hbm, idx_v)

        has_coord = wid < COORD_ROWS
        n_rows = jnp.where(has_coord, ROWS_PER_W + 1, ROWS_PER_W)

        def start_in(r):
            @pl.when(r < ROWS_PER_W)
            def _():
                pltpu.async_copy(feat_hbm.at[wid * ROWS_PER_W + r], row_v, sem_in)

            @pl.when(r >= ROWS_PER_W)
            def _():
                pltpu.async_copy(coord_hbm.at[wid], row_v, sem_in)

        def wait_in():
            pltpu.make_async_copy(feat_hbm.at[0], row_v, sem_in).wait()

        def start_out(r, b):
            @pl.when(b == 0)
            def _():
                @pl.when(r < ROWS_PER_W)
                def _():
                    pltpu.async_copy(out_v.at[0], outf_hbm.at[wid * ROWS_PER_W + r], sem_o0)

                @pl.when(r >= ROWS_PER_W)
                def _():
                    pltpu.async_copy(out_v.at[0], outc_hbm.at[wid], sem_o0)

            @pl.when(b == 1)
            def _():
                @pl.when(r < ROWS_PER_W)
                def _():
                    pltpu.async_copy(out_v.at[1], outf_hbm.at[wid * ROWS_PER_W + r], sem_o1)

                @pl.when(r >= ROWS_PER_W)
                def _():
                    pltpu.async_copy(out_v.at[1], outc_hbm.at[wid], sem_o1)

        def wait_out(b):
            @pl.when(b == 0)
            def _():
                pltpu.make_async_copy(out_v.at[0], outf_hbm.at[0], sem_o0).wait()

            @pl.when(b == 1)
            def _():
                pltpu.make_async_copy(out_v.at[1], outf_hbm.at[0], sem_o1).wait()

        def gather_into(b):
            def body(j):
                iv = idx_v[pl.ds(j * L, L)]
                out_v[b, pl.ds(j * L, L)] = plsc.load_gather(row_v, [iv])
            plsc.parallel_loop(0, POOL // L, 1, unroll=8)(body)

        start_in(jnp.int32(0))

        def row_body(r, carry):
            b = lax.rem(r, 2)
            wait_in()

            @pl.when(r >= 2)
            def _():
                wait_out(b)

            gather_into(b)
            start_out(r, b)

            @pl.when(r + 1 < n_rows)
            def _():
                start_in(r + 1)

            return carry

        lax.fori_loop(0, n_rows, row_body, jnp.int32(0))
        wait_out(lax.rem(n_rows, 2))
        wait_out(lax.rem(n_rows + 1, 2))

    return k(feat2d, coord2d, idx)


def kernel(critic_voxel_feature, critic_voxel_coordinate):
    N = critic_voxel_feature.shape[2]
    sample_idx = jax.random.permutation(jax.random.key(42), N)[:POOL]
    sample_idx = sample_idx.astype(jnp.int32)
    feat2d = critic_voxel_feature.reshape(FEAT_ROWS, N)
    coord2d = critic_voxel_coordinate.reshape(COORD_ROWS, N)
    outf, outc = _sc_gather(feat2d, coord2d, sample_idx)
    return (
        outf.reshape(critic_voxel_feature.shape[0], critic_voxel_feature.shape[1], POOL),
        outc.reshape(critic_voxel_coordinate.shape[0], critic_voxel_coordinate.shape[1], POOL),
    )

# --- scband reference (transcript-rebuilt; emitter-appended) ---
"""Pipeline reference for scband-random-pool-56650618634364 (READ-ONLY COPY).

The authoritative reference and input builder live on the scoring server;
editing this copy changes nothing except your own understanding.
"""

import jax, jax.numpy as jnp
import numpy as np

POOL_NUM = 16384

def setup_inputs(seed: int = 0) -> dict:
    key = jax.random.key(seed)
    k1, k2 = jax.random.split(key)
    critic_voxel_feature = jax.random.normal(k1, (8, 128, 65536), dtype=jnp.float32)
    critic_voxel_coordinate = jax.random.normal(k2, (8, 3, 65536), dtype=jnp.float32)
    return {"critic_voxel_feature": critic_voxel_feature,
            "critic_voxel_coordinate": critic_voxel_coordinate}

def reference(critic_voxel_feature, critic_voxel_coordinate):
    # torch.randperm(N)[:pool_num] -> deterministic jax permutation with fixed key
    N = critic_voxel_feature.shape[2]
    sample_idx = jax.random.permutation(jax.random.key(42), N)[:POOL_NUM]
    new_coord = jnp.take(critic_voxel_coordinate, sample_idx, axis=2)
    new_feature = jnp.take(critic_voxel_feature, sample_idx, axis=2)
    return (new_feature, new_coord)

if __name__ == "__main__":
    import jax
    _d = setup_inputs()
    print(jax.jit(kernel)(*tuple(_d.values())))

</pallas_src>

<mosaic_0001>
#map = affine_map<(d0, d1) -> (0, 0)>
#map1 = affine_map<(d0, d1) -> (0)>
module attributes {stable_mosaic.version = 14 : i64} {
  func.func @k(%arg0: i32, %arg1: i32, %arg2: memref<1024x65536xf32, #tpu.memory_space<hbm>>, %arg3: memref<24x65536xf32, #tpu.memory_space<hbm>>, %arg4: memref<16384xi32, #tpu.memory_space<hbm>>, %arg5: memref<1024x16384xf32, #tpu.memory_space<hbm>>, %arg6: memref<24x16384xf32, #tpu.memory_space<hbm>>, %arg7: memref<16384xi32, #tpu.memory_space<vmem>>, %arg8: memref<65536xf32, #tpu.memory_space<vmem>>, %arg9: memref<2x16384xf32, #tpu.memory_space<vmem>>, %arg10: memref<!tpu.dma_semaphore, #tpu.memory_space<semaphore_mem>>, %arg11: memref<!tpu.dma_semaphore, #tpu.memory_space<semaphore_mem>>, %arg12: memref<!tpu.dma_semaphore, #tpu.memory_space<semaphore_mem>>) attributes {dimension_semantics = [#tpu.dimension_semantics<core_parallel>, #tpu.dimension_semantics<subcore_parallel>], iteration_bounds = array<i64: 2, 16>, scalar_prefetch = 0 : i64, scratch_operands = 6 : i64, tpu.core_type = #tpu.core_type<sc_vector_subcore>, window_params = [{transform_indices = #map}, {transform_indices = #map}, {transform_indices = #map1}, {transform_indices = #map}, {transform_indices = #map}]} {
    %mul3A = arith.constant 2 : i32
    %mul3A_0 = arith.muli %arg1, %mul3A : i32
    %add3A = arith.addi %mul3A_0, %arg0 : i32
    "tpu.region"() ({
      %run_scoped3A = tpu.sem_alloc : memref<!tpu.dma_semaphore, #tpu.memory_space<semaphore_mem>>
      tpu.enqueue_dma source(%arg4 : memref<16384xi32, #tpu.memory_space<hbm>>) target(%arg7 : memref<16384xi32, #tpu.memory_space<vmem>>) target_semaphore(%run_scoped3A : memref<!tpu.dma_semaphore, #tpu.memory_space<semaphore_mem>>)
      tpu.wait_dma2 semaphore(%run_scoped3A : memref<!tpu.dma_semaphore, #tpu.memory_space<semaphore_mem>>) src(%arg4 : memref<16384xi32, #tpu.memory_space<hbm>>) dst(%arg7 : memref<16384xi32, #tpu.memory_space<vmem>>)
      tpu.yield
    }) : () -> ()
    %lt3A = arith.constant 24 : i32
    %lt3A_1 = arith.cmpi slt, %add3A, %lt3A : i32
    %jit3A = arith.constant 33 : i32
    %jit3A_2 = arith.constant 32 : i32
    %select_n3A = arith.select %lt3A_1, %jit3A, %jit3A_2 : i32
    %lt3A_3 = arith.constant 0 : i32
    %lt3A_4 = arith.constant 32 : i32
    %lt3A_5 = arith.cmpi slt, %lt3A_3, %lt3A_4 : i32
    %convert_element_type3A = arith.extui %lt3A_5 : i1 to i32
    %cond3A = arith.constant 0 : i32
    %cond3A_6 = arith.constant 0 : i32
    %cond3A_7 = arith.cmpi ne, %convert_element_type3A, %cond3A_6 : i32
    scf.if %cond3A_7 {
      %mul3A_46 = arith.constant 32 : i32
      %mul3A_47 = arith.muli %add3A, %mul3A_46 : i32
      %add3A_48 = arith.addi %mul3A_47, %cond3A : i32
      %dma_start3A = arith.constant 0 : i32
      %dma_start3A_49 = tpu.memref_slice %arg2[%add3A_48, %dma_start3A] : memref<1024x65536xf32, #tpu.memory_space<hbm>> -> memref<1x65536xf32, #tpu.memory_space<hbm>>
      %dma_start3A_50 = tpu.memref_squeeze %dma_start3A_49 : memref<1x65536xf32, #tpu.memory_space<hbm>> -> memref<65536xf32, #tpu.memory_space<hbm>>
      %dma_start3A_51 = arith.constant 0 : i32
      %dma_start3A_52 = tpu.memref_slice %arg2[%add3A_48, %dma_start3A_51] : memref<1024x65536xf32, #tpu.memory_space<hbm>> -> memref<1x65536xf32, #tpu.memory_space<hbm>>
      %dma_start3A_53 = tpu.memref_squeeze %dma_start3A_52 : memref<1x65536xf32, #tpu.memory_space<hbm>> -> memref<65536xf32, #tpu.memory_space<hbm>>
      tpu.enqueue_dma source(%dma_start3A_53 : memref<65536xf32, #tpu.memory_space<hbm>>) target(%arg8 : memref<65536xf32, #tpu.memory_space<vmem>>) target_semaphore(%arg10 : memref<!tpu.dma_semaphore, #tpu.memory_space<semaphore_mem>>)
    } else {
    }
    %ge3A = arith.constant 0 : i32
    %ge3A_8 = arith.constant 32 : i32
    %ge3A_9 = arith.cmpi sge, %ge3A, %ge3A_8 : i32
    %convert_element_type3A_10 = arith.extui %ge3A_9 : i1 to i32
    %cond3A_11 = arith.constant 0 : i32
    %cond3A_12 = arith.cmpi ne, %convert_element_type3A_10, %cond3A_11 : i32
    scf.if %cond3A_12 {
      %dma_start3A = arith.constant 0 : i32
      %dma_start3A_46 = tpu.memref_slice %arg3[%add3A, %dma_start3A] : memref<24x65536xf32, #tpu.memory_space<hbm>> -> memref<1x65536xf32, #tpu.memory_space<hbm>>
      %dma_start3A_47 = tpu.memref_squeeze %dma_start3A_46 : memref<1x65536xf32, #tpu.memory_space<hbm>> -> memref<65536xf32, #tpu.memory_space<hbm>>
      %dma_start3A_48 = arith.constant 0 : i32
      %dma_start3A_49 = tpu.memref_slice %arg3[%add3A, %dma_start3A_48] : memref<24x65536xf32, #tpu.memory_space<hbm>> -> memref<1x65536xf32, #tpu.memory_space<hbm>>
      %dma_start3A_50 = tpu.memref_squeeze %dma_start3A_49 : memref<1x65536xf32, #tpu.memory_space<hbm>> -> memref<65536xf32, #tpu.memory_space<hbm>>
      tpu.enqueue_dma source(%dma_start3A_50 : memref<65536xf32, #tpu.memory_space<hbm>>) target(%arg8 : memref<65536xf32, #tpu.memory_space<vmem>>) target_semaphore(%arg10 : memref<!tpu.dma_semaphore, #tpu.memory_space<semaphore_mem>>)
    } else {
    }
    %while3A = arith.constant 0 : i32
    %while3A_13 = arith.constant 0 : i32
    %while3A_14 = arith.subi %select_n3A, %while3A_13 : i32
    %while3A_15 = arith.addi %while3A_13, %while3A_14 : i32
    %while3A_16 = arith.constant 1 : i32
    %while3A_17 = arith.divsi %while3A_14, %while3A_16 : i32
    %while3A_18 = arith.muli %while3A_17, %while3A_16 : i32
    %while3A_19 = arith.addi %while3A_13, %while3A_18 : i32
    %while3A_20 = arith.constant 1 : i32
    scf.for %while3A_46 = %while3A_13 to %while3A_19 step %while3A_20  : i32 {
      %rem3A_47 = arith.constant 2 : i32
      %rem3A_48 = arith.remsi %while3A_46, %rem3A_47 : i32
      %dma_wait3A = arith.constant 0 : i32
      %dma_wait3A_49 = arith.constant 0 : i32
      %dma_wait3A_50 = tpu.memref_slice %arg2[%dma_wait3A, %dma_wait3A_49] : memref<1024x65536xf32, #tpu.memory_space<hbm>> -> memref<1x65536xf32, #tpu.memory_space<hbm>>
      %dma_wait3A_51 = tpu.memref_squeeze %dma_wait3A_50 : memref<1x65536xf32, #tpu.memory_space<hbm>> -> memref<65536xf32, #tpu.memory_space<hbm>>
      %dma_wait3A_52 = arith.constant 0 : i32
      %dma_wait3A_53 = tpu.memref_slice %arg2[%dma_wait3A, %dma_wait3A_52] : memref<1024x65536xf32, #tpu.memory_space<hbm>> -> memref<1x65536xf32, #tpu.memory_space<hbm>>
      %dma_wait3A_54 = tpu.memref_squeeze %dma_wait3A_53 : memref<1x65536xf32, #tpu.memory_space<hbm>> -> memref<65536xf32, #tpu.memory_space<hbm>>
      tpu.wait_dma2 semaphore(%arg10 : memref<!tpu.dma_semaphore, #tpu.memory_space<semaphore_mem>>) src(%dma_wait3A_54 : memref<65536xf32, #tpu.memory_space<hbm>>) dst(%arg8 : memref<65536xf32, #tpu.memory_space<vmem>>)
      %ge3A_55 = arith.constant 2 : i32
      %ge3A_56 = arith.cmpi sge, %while3A_46, %ge3A_55 : i32
      %convert_element_type3A_57 = arith.extui %ge3A_56 : i1 to i32
      %cond3A_58 = arith.constant 0 : i32
      %cond3A_59 = arith.cmpi ne, %convert_element_type3A_57, %cond3A_58 : i32
      scf.if %cond3A_59 {
        %eq3A_78 = arith.constant 0 : i32
        %eq3A_79 = arith.cmpi eq, %rem3A_48, %eq3A_78 : i32
        %convert_element_type3A_80 = arith.extui %eq3A_79 : i1 to i32
        %cond3A_81 = arith.constant 0 : i32
        %cond3A_82 = arith.cmpi ne, %convert_element_type3A_80, %cond3A_81 : i32
        scf.if %cond3A_82 {
          %dma_wait3A_88 = arith.constant 0 : i32
          %dma_wait3A_89 = arith.constant 0 : i32
          %dma_wait3A_90 = arith.constant 0 : i32
          %dma_wait3A_91 = tpu.memref_slice %arg9[%dma_wait3A_88, %dma_wait3A_90] : memref<2x16384xf32, #tpu.memory_space<vmem>> -> memref<1x16384xf32, #tpu.memory_space<vmem>>
          %dma_wait3A_92 = tpu.memref_squeeze %dma_wait3A_91 : memref<1x16384xf32, #tpu.memory_space<vmem>> -> memref<16384xf32, #tpu.memory_space<vmem>>
          %dma_wait3A_93 = arith.constant 0 : i32
          %dma_wait3A_94 = tpu.memref_slice %arg5[%dma_wait3A_89, %dma_wait3A_93] : memref<1024x16384xf32, #tpu.memory_space<hbm>> -> memref<1x16384xf32, #tpu.memory_space<hbm>>
          %dma_wait3A_95 = tpu.memref_squeeze %dma_wait3A_94 : memref<1x16384xf32, #tpu.memory_space<hbm>> -> memref<16384xf32, #tpu.memory_space<hbm>>
          %dma_wait3A_96 = arith.constant 0 : i32
          %dma_wait3A_97 = tpu.memref_slice %arg5[%dma_wait3A_89, %dma_wait3A_96] : memref<1024x16384xf32, #tpu.memory_space<hbm>> -> memref<1x16384xf32, #tpu.memory_space<hbm>>
          %dma_wait3A_98 = tpu.memref_squeeze %dma_wait3A_97 : memref<1x16384xf32, #tpu.memory_space<hbm>> -> memref<16384xf32, #tpu.memory_space<hbm>>
          %dma_wait3A_99 = arith.constant 0 : i32
          %dma_wait3A_100 = tpu.memref_slice %arg9[%dma_wait3A_88, %dma_wait3A_99] : memref<2x16384xf32, #tpu.memory_space<vmem>> -> memref<1x16384xf32, #tpu.memory_space<vmem>>
          %dma_wait3A_101 = tpu.memref_squeeze %dma_wait3A_100 : memref<1x16384xf32, #tpu.memory_space<vmem>> -> memref<16384xf32, #tpu.memory_space<vmem>>
          tpu.wait_dma2 semaphore(%arg11 : memref<!tpu.dma_semaphore, #tpu.memory_space<semaphore_mem>>) src(%dma_wait3A_101 : memref<16384xf32, #tpu.memory_space<vmem>>) dst(%dma_wait3A_98 : memref<16384xf32, #tpu.memory_space<hbm>>)
        } else {
        }
        %eq3A_83 = arith.constant 1 : i32
        %eq3A_84 = arith.cmpi eq, %rem3A_48, %eq3A_83 : i32
        %convert_element_type3A_85 = arith.extui %eq3A_84 : i1 to i32
        %cond3A_86 = arith.constant 0 : i32
        %cond3A_87 = arith.cmpi ne, %convert_element_type3A_85, %cond3A_86 : i32
        scf.if %cond3A_87 {
          %dma_wait3A_88 = arith.constant 1 : i32
          %dma_wait3A_89 = arith.constant 0 : i32
          %dma_wait3A_90 = arith.constant 0 : i32
          %dma_wait3A_91 = tpu.memref_slice %arg9[%dma_wait3A_88, %dma_wait3A_90] : memref<2x16384xf32, #tpu.memory_space<vmem>> -> memref<1x16384xf32, #tpu.memory_space<vmem>>
          %dma_wait3A_92 = tpu.memref_squeeze %dma_wait3A_91 : memref<1x16384xf32, #tpu.memory_space<vmem>> -> memref<16384xf32, #tpu.memory_space<vmem>>
          %dma_wait3A_93 = arith.constant 0 : i32
          %dma_wait3A_94 = tpu.memref_slice %arg5[%dma_wait3A_89, %dma_wait3A_93] : memref<1024x16384xf32, #tpu.memory_space<hbm>> -> memref<1x16384xf32, #tpu.memory_space<hbm>>
          %dma_wait3A_95 = tpu.memref_squeeze %dma_wait3A_94 : memref<1x16384xf32, #tpu.memory_space<hbm>> -> memref<16384xf32, #tpu.memory_space<hbm>>
          %dma_wait3A_96 = arith.constant 0 : i32
          %dma_wait3A_97 = tpu.memref_slice %arg5[%dma_wait3A_89, %dma_wait3A_96] : memref<1024x16384xf32, #tpu.memory_space<hbm>> -> memref<1x16384xf32, #tpu.memory_space<hbm>>
          %dma_wait3A_98 = tpu.memref_squeeze %dma_wait3A_97 : memref<1x16384xf32, #tpu.memory_space<hbm>> -> memref<16384xf32, #tpu.memory_space<hbm>>
          %dma_wait3A_99 = arith.constant 0 : i32
          %dma_wait3A_100 = tpu.memref_slice %arg9[%dma_wait3A_88, %dma_wait3A_99] : memref<2x16384xf32, #tpu.memory_space<vmem>> -> memref<1x16384xf32, #tpu.memory_space<vmem>>
          %dma_wait3A_101 = tpu.memref_squeeze %dma_wait3A_100 : memref<1x16384xf32, #tpu.memory_space<vmem>> -> memref<16384xf32, #tpu.memory_space<vmem>>
          tpu.wait_dma2 semaphore(%arg12 : memref<!tpu.dma_semaphore, #tpu.memory_space<semaphore_mem>>) src(%dma_wait3A_101 : memref<16384xf32, #tpu.memory_space<vmem>>) dst(%dma_wait3A_98 : memref<16384xf32, #tpu.memory_space<hbm>>)
        } else {
        }
      } else {
      }
      %parallel_loop3A = arith.constant 0 : i32
      %parallel_loop3A_60 = arith.constant 1024 : i32
      %parallel_loop3A_61 = arith.constant 1 : i32
      scf.for %parallel_loop3A_78 = %parallel_loop3A to %parallel_loop3A_60 step %parallel_loop3A_61  : i32 {
        %parallel_loop3A_79 = arith.constant 16 : i32
        %parallel_loop3A_80 = arith.muli %parallel_loop3A_78, %parallel_loop3A_79 : i32
        %parallel_loop3A_81 = arith.index_cast %parallel_loop3A_80 : i32 to index
        %parallel_loop3A_82 = tpu.vector_load %arg7[%parallel_loop3A_81] {strides = array<i32>} : memref<16384xi32, #tpu.memory_space<vmem>>, vector<16xi32>,
        %parallel_loop3A_83 = tpu.vector_load_idx %arg8[%parallel_loop3A_82] : memref<65536xf32, #tpu.memory_space<vmem>>[vector<16xi32>], vector<16xf32>,
        %parallel_loop3A_84 = arith.constant 16 : i32
        %parallel_loop3A_85 = arith.muli %parallel_loop3A_78, %parallel_loop3A_84 : i32
        %parallel_loop3A_86 = arith.index_cast %rem3A_48 : i32 to index
        %parallel_loop3A_87 = arith.index_cast %parallel_loop3A_85 : i32 to index
        %parallel_loop3A_88 = tpu.vector_load %arg9[%parallel_loop3A_86, %parallel_loop3A_87] {strides = array<i32>} : memref<2x16384xf32, #tpu.memory_space<vmem>>, vector<16xf32>,
        tpu.vector_store %arg9[%parallel_loop3A_86, %parallel_loop3A_87], %parallel_loop3A_83 {strides = array<i32>} : memref<2x16384xf32, #tpu.memory_space<vmem>>, vector<16xf32>,
      } {sc.loop_unroll_factor = 8 : i64, sc.parallel_access}
      %eq3A_62 = arith.constant 0 : i32
      %eq3A_63 = arith.cmpi eq, %rem3A_48, %eq3A_62 : i32
      %convert_element_type3A_64 = arith.extui %eq3A_63 : i1 to i32
      %cond3A_65 = arith.constant 0 : i32
      %cond3A_66 = arith.cmpi ne, %convert_element_type3A_64, %cond3A_65 : i32
      scf.if %cond3A_66 {
        %lt3A_78 = arith.constant 32 : i32
        %lt3A_79 = arith.cmpi slt, %while3A_46, %lt3A_78 : i32
        %convert_element_type3A_80 = arith.extui %lt3A_79 : i1 to i32
        %cond3A_81 = arith.constant 0 : i32
        %cond3A_82 = arith.cmpi ne, %convert_element_type3A_80, %cond3A_81 : i32
        scf.if %cond3A_82 {
          %mul3A_88 = arith.constant 32 : i32
          %mul3A_89 = arith.muli %add3A, %mul3A_88 : i32
          %add3A_90 = arith.addi %mul3A_89, %while3A_46 : i32
          %dma_start3A = arith.constant 0 : i32
          %dma_start3A_91 = arith.constant 0 : i32
          %dma_start3A_92 = tpu.memref_slice %arg9[%dma_start3A, %dma_start3A_91] : memref<2x16384xf32, #tpu.memory_space<vmem>> -> memref<1x16384xf32, #tpu.memory_space<vmem>>
          %dma_start3A_93 = tpu.memref_squeeze %dma_start3A_92 : memref<1x16384xf32, #tpu.memory_space<vmem>> -> memref<16384xf32, #tpu.memory_space<vmem>>
          %dma_start3A_94 = arith.constant 0 : i32
          %dma_start3A_95 = tpu.memref_slice %arg5[%add3A_90, %dma_start3A_94] : memref<1024x16384xf32, #tpu.memory_space<hbm>> -> memref<1x16384xf32, #tpu.memory_space<hbm>>
          %dma_start3A_96 = tpu.memref_squeeze %dma_start3A_95 : memref<1x16384xf32, #tpu.memory_space<hbm>> -> memref<16384xf32, #tpu.memory_space<hbm>>
          %dma_start3A_97 = arith.constant 0 : i32
          %dma_start3A_98 = tpu.memref_slice %arg5[%add3A_90, %dma_start3A_97] : memref<1024x16384xf32, #tpu.memory_space<hbm>> -> memref<1x16384xf32, #tpu.memory_space<hbm>>
          %dma_start3A_99 = tpu.memref_squeeze %dma_start3A_98 : memref<1x16384xf32, #tpu.memory_space<hbm>> -> memref<16384xf32, #tpu.memory_space<hbm>>
          %dma_start3A_100 = arith.constant 0 : i32
          %dma_start3A_101 = tpu.memref_slice %arg9[%dma_start3A, %dma_start3A_100] : memref<2x16384xf32, #tpu.memory_space<vmem>> -> memref<1x16384xf32, #tpu.memory_space<vmem>>
          %dma_start3A_102 = tpu.memref_squeeze %dma_start3A_101 : memref<1x16384xf32, #tpu.memory_space<vmem>> -> memref<16384xf32, #tpu.memory_space<vmem>>
          tpu.enqueue_dma source(%dma_start3A_102 : memref<16384xf32, #tpu.memory_space<vmem>>) target(%dma_start3A_99 : memref<16384xf32, #tpu.memory_space<hbm>>) target_semaphore(%arg11 : memref<!tpu.dma_semaphore, #tpu.memory_space<semaphore_mem>>)
        } else {
        }
        %ge3A_83 = arith.constant 32 : i32
        %ge3A_84 = arith.cmpi sge, %while3A_46, %ge3A_83 : i32
        %convert_element_type3A_85 = arith.extui %ge3A_84 : i1 to i32
        %cond3A_86 = arith.constant 0 : i32
        %cond3A_87 = arith.cmpi ne, %convert_element_type3A_85, %cond3A_86 : i32
        scf.if %cond3A_87 {
          %dma_start3A = arith.constant 0 : i32
          %dma_start3A_88 = arith.constant 0 : i32
          %dma_start3A_89 = tpu.memref_slice %arg9[%dma_start3A, %dma_start3A_88] : memref<2x16384xf32, #tpu.memory_space<vmem>> -> memref<1x16384xf32, #tpu.memory_space<vmem>>
          %dma_start3A_90 = tpu.memref_squeeze %dma_start3A_89 : memref<1x16384xf32, #tpu.memory_space<vmem>> -> memref<16384xf32, #tpu.memory_space<vmem>>
          %dma_start3A_91 = arith.constant 0 : i32
          %dma_start3A_92 = tpu.memref_slice %arg6[%add3A, %dma_start3A_91] : memref<24x16384xf32, #tpu.memory_space<hbm>> -> memref<1x16384xf32, #tpu.memory_space<hbm>>
          %dma_start3A_93 = tpu.memref_squeeze %dma_start3A_92 : memref<1x16384xf32, #tpu.memory_space<hbm>> -> memref<16384xf32, #tpu.memory_space<hbm>>
          %dma_start3A_94 = arith.constant 0 : i32
          %dma_start3A_95 = tpu.memref_slice %arg6[%add3A, %dma_start3A_94] : memref<24x16384xf32, #tpu.memory_space<hbm>> -> memref<1x16384xf32, #tpu.memory_space<hbm>>
          %dma_start3A_96 = tpu.memref_squeeze %dma_start3A_95 : memref<1x16384xf32, #tpu.memory_space<hbm>> -> memref<16384xf32, #tpu.memory_space<hbm>>
          %dma_start3A_97 = arith.constant 0 : i32
          %dma_start3A_98 = tpu.memref_slice %arg9[%dma_start3A, %dma_start3A_97] : memref<2x16384xf32, #tpu.memory_space<vmem>> -> memref<1x16384xf32, #tpu.memory_space<vmem>>
          %dma_start3A_99 = tpu.memref_squeeze %dma_start3A_98 : memref<1x16384xf32, #tpu.memory_space<vmem>> -> memref<16384xf32, #tpu.memory_space<vmem>>
          tpu.enqueue_dma source(%dma_start3A_99 : memref<16384xf32, #tpu.memory_space<vmem>>) target(%dma_start3A_96 : memref<16384xf32, #tpu.memory_space<hbm>>) target_semaphore(%arg11 : memref<!tpu.dma_semaphore, #tpu.memory_space<semaphore_mem>>)
        } else {
        }
      } else {
      }
      %eq3A_67 = arith.constant 1 : i32
      %eq3A_68 = arith.cmpi eq, %rem3A_48, %eq3A_67 : i32
      %convert_element_type3A_69 = arith.extui %eq3A_68 : i1 to i32
      %cond3A_70 = arith.constant 0 : i32
      %cond3A_71 = arith.cmpi ne, %convert_element_type3A_69, %cond3A_70 : i32
      scf.if %cond3A_71 {
        %lt3A_78 = arith.constant 32 : i32
        %lt3A_79 = arith.cmpi slt, %while3A_46, %lt3A_78 : i32
        %convert_element_type3A_80 = arith.extui %lt3A_79 : i1 to i32
        %cond3A_81 = arith.constant 0 : i32
        %cond3A_82 = arith.cmpi ne, %convert_element_type3A_80, %cond3A_81 : i32
        scf.if %cond3A_82 {
          %mul3A_88 = arith.constant 32 : i32
          %mul3A_89 = arith.muli %add3A, %mul3A_88 : i32
          %add3A_90 = arith.addi %mul3A_89, %while3A_46 : i32
          %dma_start3A = arith.constant 1 : i32
          %dma_start3A_91 = arith.constant 0 : i32
          %dma_start3A_92 = tpu.memref_slice %arg9[%dma_start3A, %dma_start3A_91] : memref<2x16384xf32, #tpu.memory_space<vmem>> -> memref<1x16384xf32, #tpu.memory_space<vmem>>
          %dma_start3A_93 = tpu.memref_squeeze %dma_start3A_92 : memref<1x16384xf32, #tpu.memory_space<vmem>> -> memref<16384xf32, #tpu.memory_space<vmem>>
          %dma_start3A_94 = arith.constant 0 : i32
          %dma_start3A_95 = tpu.memref_slice %arg5[%add3A_90, %dma_start3A_94] : memref<1024x16384xf32, #tpu.memory_space<hbm>> -> memref<1x16384xf32, #tpu.memory_space<hbm>>
          %dma_start3A_96 = tpu.memref_squeeze %dma_start3A_95 : memref<1x16384xf32, #tpu.memory_space<hbm>> -> memref<16384xf32, #tpu.memory_space<hbm>>
          %dma_start3A_97 = arith.constant 0 : i32
          %dma_start3A_98 = tpu.memref_slice %arg5[%add3A_90, %dma_start3A_97] : memref<1024x16384xf32, #tpu.memory_space<hbm>> -> memref<1x16384xf32, #tpu.memory_space<hbm>>
          %dma_start3A_99 = tpu.memref_squeeze %dma_start3A_98 : memref<1x16384xf32, #tpu.memory_space<hbm>> -> memref<16384xf32, #tpu.memory_space<hbm>>
          %dma_start3A_100 = arith.constant 0 : i32
          %dma_start3A_101 = tpu.memref_slice %arg9[%dma_start3A, %dma_start3A_100] : memref<2x16384xf32, #tpu.memory_space<vmem>> -> memref<1x16384xf32, #tpu.memory_space<vmem>>
          %dma_start3A_102 = tpu.memref_squeeze %dma_start3A_101 : memref<1x16384xf32, #tpu.memory_space<vmem>> -> memref<16384xf32, #tpu.memory_space<vmem>>
          tpu.enqueue_dma source(%dma_start3A_102 : memref<16384xf32, #tpu.memory_space<vmem>>) target(%dma_start3A_99 : memref<16384xf32, #tpu.memory_space<hbm>>) target_semaphore(%arg12 : memref<!tpu.dma_semaphore, #tpu.memory_space<semaphore_mem>>)
        } else {
        }
        %ge3A_83 = arith.constant 32 : i32
        %ge3A_84 = arith.cmpi sge, %while3A_46, %ge3A_83 : i32
        %convert_element_type3A_85 = arith.extui %ge3A_84 : i1 to i32
        %cond3A_86 = arith.constant 0 : i32
        %cond3A_87 = arith.cmpi ne, %convert_element_type3A_85, %cond3A_86 : i32
        scf.if %cond3A_87 {
          %dma_start3A = arith.constant 1 : i32
          %dma_start3A_88 = arith.constant 0 : i32
          %dma_start3A_89 = tpu.memref_slice %arg9[%dma_start3A, %dma_start3A_88] : memref<2x16384xf32, #tpu.memory_space<vmem>> -> memref<1x16384xf32, #tpu.memory_space<vmem>>
          %dma_start3A_90 = tpu.memref_squeeze %dma_start3A_89 : memref<1x16384xf32, #tpu.memory_space<vmem>> -> memref<16384xf32, #tpu.memory_space<vmem>>
          %dma_start3A_91 = arith.constant 0 : i32
          %dma_start3A_92 = tpu.memref_slice %arg6[%add3A, %dma_start3A_91] : memref<24x16384xf32, #tpu.memory_space<hbm>> -> memref<1x16384xf32, #tpu.memory_space<hbm>>
          %dma_start3A_93 = tpu.memref_squeeze %dma_start3A_92 : memref<1x16384xf32, #tpu.memory_space<hbm>> -> memref<16384xf32, #tpu.memory_space<hbm>>
          %dma_start3A_94 = arith.constant 0 : i32
          %dma_start3A_95 = tpu.memref_slice %arg6[%add3A, %dma_start3A_94] : memref<24x16384xf32, #tpu.memory_space<hbm>> -> memref<1x16384xf32, #tpu.memory_space<hbm>>
          %dma_start3A_96 = tpu.memref_squeeze %dma_start3A_95 : memref<1x16384xf32, #tpu.memory_space<hbm>> -> memref<16384xf32, #tpu.memory_space<hbm>>
          %dma_start3A_97 = arith.constant 0 : i32
          %dma_start3A_98 = tpu.memref_slice %arg9[%dma_start3A, %dma_start3A_97] : memref<2x16384xf32, #tpu.memory_space<vmem>> -> memref<1x16384xf32, #tpu.memory_space<vmem>>
          %dma_start3A_99 = tpu.memref_squeeze %dma_start3A_98 : memref<1x16384xf32, #tpu.memory_space<vmem>> -> memref<16384xf32, #tpu.memory_space<vmem>>
          tpu.enqueue_dma source(%dma_start3A_99 : memref<16384xf32, #tpu.memory_space<vmem>>) target(%dma_start3A_96 : memref<16384xf32, #tpu.memory_space<hbm>>) target_semaphore(%arg12 : memref<!tpu.dma_semaphore, #tpu.memory_space<semaphore_mem>>)
        } else {
        }
      } else {
      }
      %add3A_72 = arith.constant 1 : i32
      %add3A_73 = arith.addi %while3A_46, %add3A_72 : i32
      %lt3A_74 = arith.cmpi slt, %add3A_73, %select_n3A : i32
      %convert_element_type3A_75 = arith.extui %lt3A_74 : i1 to i32
      %cond3A_76 = arith.constant 0 : i32
      %cond3A_77 = arith.cmpi ne, %convert_element_type3A_75, %cond3A_76 : i32
      scf.if %cond3A_77 {
        %add3A_78 = arith.constant 1 : i32
        %add3A_79 = arith.addi %while3A_46, %add3A_78 : i32
        %lt3A_80 = arith.constant 32 : i32
        %lt3A_81 = arith.cmpi slt, %add3A_79, %lt3A_80 : i32
        %convert_element_type3A_82 = arith.extui %lt3A_81 : i1 to i32
        %cond3A_83 = arith.constant 0 : i32
        %cond3A_84 = arith.cmpi ne, %convert_element_type3A_82, %cond3A_83 : i32
        scf.if %cond3A_84 {
          %mul3A_90 = arith.constant 32 : i32
          %mul3A_91 = arith.muli %add3A, %mul3A_90 : i32
          %add3A_92 = arith.addi %mul3A_91, %add3A_79 : i32
          %dma_start3A = arith.constant 0 : i32
          %dma_start3A_93 = tpu.memref_slice %arg2[%add3A_92, %dma_start3A] : memref<1024x65536xf32, #tpu.memory_space<hbm>> -> memref<1x65536xf32, #tpu.memory_space<hbm>>
          %dma_start3A_94 = tpu.memref_squeeze %dma_start3A_93 : memref<1x65536xf32, #tpu.memory_space<hbm>> -> memref<65536xf32, #tpu.memory_space<hbm>>
          %dma_start3A_95 = arith.constant 0 : i32
          %dma_start3A_96 = tpu.memref_slice %arg2[%add3A_92, %dma_start3A_95] : memref<1024x65536xf32, #tpu.memory_space<hbm>> -> memref<1x65536xf32, #tpu.memory_space<hbm>>
          %dma_start3A_97 = tpu.memref_squeeze %dma_start3A_96 : memref<1x65536xf32, #tpu.memory_space<hbm>> -> memref<65536xf32, #tpu.memory_space<hbm>>
          tpu.enqueue_dma source(%dma_start3A_97 : memref<65536xf32, #tpu.memory_space<hbm>>) target(%arg8 : memref<65536xf32, #tpu.memory_space<vmem>>) target_semaphore(%arg10 : memref<!tpu.dma_semaphore, #tpu.memory_space<semaphore_mem>>)
        } else {
        }
        %ge3A_85 = arith.constant 32 : i32
        %ge3A_86 = arith.cmpi sge, %add3A_79, %ge3A_85 : i32
        %convert_element_type3A_87 = arith.extui %ge3A_86 : i1 to i32
        %cond3A_88 = arith.constant 0 : i32
        %cond3A_89 = arith.cmpi ne, %convert_element_type3A_87, %cond3A_88 : i32
        scf.if %cond3A_89 {
          %dma_start3A = arith.constant 0 : i32
          %dma_start3A_90 = tpu.memref_slice %arg3[%add3A, %dma_start3A] : memref<24x65536xf32, #tpu.memory_space<hbm>> -> memref<1x65536xf32, #tpu.memory_space<hbm>>
          %dma_start3A_91 = tpu.memref_squeeze %dma_start3A_90 : memref<1x65536xf32, #tpu.memory_space<hbm>> -> memref<65536xf32, #tpu.memory_space<hbm>>
          %dma_start3A_92 = arith.constant 0 : i32
          %dma_start3A_93 = tpu.memref_slice %arg3[%add3A, %dma_start3A_92] : memref<24x65536xf32, #tpu.memory_space<hbm>> -> memref<1x65536xf32, #tpu.memory_space<hbm>>
          %dma_start3A_94 = tpu.memref_squeeze %dma_start3A_93 : memref<1x65536xf32, #tpu.memory_space<hbm>> -> memref<65536xf32, #tpu.memory_space<hbm>>
          tpu.enqueue_dma source(%dma_start3A_94 : memref<65536xf32, #tpu.memory_space<hbm>>) target(%arg8 : memref<65536xf32, #tpu.memory_space<vmem>>) target_semaphore(%arg10 : memref<!tpu.dma_semaphore, #tpu.memory_space<semaphore_mem>>)
        } else {
        }
      } else {
      }
    }
    %while3A_21 = arith.constant 1 : i32
    scf.for %while3A_46 = %while3A_19 to %while3A_15 step %while3A_21  : i32 {
      %rem3A_47 = arith.constant 2 : i32
      %rem3A_48 = arith.remsi %while3A_46, %rem3A_47 : i32
      %dma_wait3A = arith.constant 0 : i32
      %dma_wait3A_49 = arith.constant 0 : i32
      %dma_wait3A_50 = tpu.memref_slice %arg2[%dma_wait3A, %dma_wait3A_49] : memref<1024x65536xf32, #tpu.memory_space<hbm>> -> memref<1x65536xf32, #tpu.memory_space<hbm>>
      %dma_wait3A_51 = tpu.memref_squeeze %dma_wait3A_50 : memref<1x65536xf32, #tpu.memory_space<hbm>> -> memref<65536xf32, #tpu.memory_space<hbm>>
      %dma_wait3A_52 = arith.constant 0 : i32
      %dma_wait3A_53 = tpu.memref_slice %arg2[%dma_wait3A, %dma_wait3A_52] : memref<1024x65536xf32, #tpu.memory_space<hbm>> -> memref<1x65536xf32, #tpu.memory_space<hbm>>
      %dma_wait3A_54 = tpu.memref_squeeze %dma_wait3A_53 : memref<1x65536xf32, #tpu.memory_space<hbm>> -> memref<65536xf32, #tpu.memory_space<hbm>>
      tpu.wait_dma2 semaphore(%arg10 : memref<!tpu.dma_semaphore, #tpu.memory_space<semaphore_mem>>) src(%dma_wait3A_54 : memref<65536xf32, #tpu.memory_space<hbm>>) dst(%arg8 : memref<65536xf32, #tpu.memory_space<vmem>>)
      %ge3A_55 = arith.constant 2 : i32
      %ge3A_56 = arith.cmpi sge, %while3A_46, %ge3A_55 : i32
      %convert_element_type3A_57 = arith.extui %ge3A_56 : i1 to i32
      %cond3A_58 = arith.constant 0 : i32
      %cond3A_59 = arith.cmpi ne, %convert_element_type3A_57, %cond3A_58 : i32
      scf.if %cond3A_59 {
        %eq3A_78 = arith.constant 0 : i32
        %eq3A_79 = arith.cmpi eq, %rem3A_48, %eq3A_78 : i32
        %convert_element_type3A_80 = arith.extui %eq3A_79 : i1 to i32
        %cond3A_81 = arith.constant 0 : i32
        %cond3A_82 = arith.cmpi ne, %convert_element_type3A_80, %cond3A_81 : i32
        scf.if %cond3A_82 {
          %dma_wait3A_88 = arith.constant 0 : i32
          %dma_wait3A_89 = arith.constant 0 : i32
          %dma_wait3A_90 = arith.constant 0 : i32
          %dma_wait3A_91 = tpu.memref_slice %arg9[%dma_wait3A_88, %dma_wait3A_90] : memref<2x16384xf32, #tpu.memory_space<vmem>> -> memref<1x16384xf32, #tpu.memory_space<vmem>>
          %dma_wait3A_92 = tpu.memref_squeeze %dma_wait3A_91 : memref<1x16384xf32, #tpu.memory_space<vmem>> -> memref<16384xf32, #tpu.memory_space<vmem>>
          %dma_wait3A_93 = arith.constant 0 : i32
          %dma_wait3A_94 = tpu.memref_slice %arg5[%dma_wait3A_89, %dma_wait3A_93] : memref<1024x16384xf32, #tpu.memory_space<hbm>> -> memref<1x16384xf32, #tpu.memory_space<hbm>>
          %dma_wait3A_95 = tpu.memref_squeeze %dma_wait3A_94 : memref<1x16384xf32, #tpu.memory_space<hbm>> -> memref<16384xf32, #tpu.memory_space<hbm>>
          %dma_wait3A_96 = arith.constant 0 : i32
          %dma_wait3A_97 = tpu.memref_slice %arg5[%dma_wait3A_89, %dma_wait3A_96] : memref<1024x16384xf32, #tpu.memory_space<hbm>> -> memref<1x16384xf32, #tpu.memory_space<hbm>>
          %dma_wait3A_98 = tpu.memref_squeeze %dma_wait3A_97 : memref<1x16384xf32, #tpu.memory_space<hbm>> -> memref<16384xf32, #tpu.memory_space<hbm>>
          %dma_wait3A_99 = arith.constant 0 : i32
          %dma_wait3A_100 = tpu.memref_slice %arg9[%dma_wait3A_88, %dma_wait3A_99] : memref<2x16384xf32, #tpu.memory_space<vmem>> -> memref<1x16384xf32, #tpu.memory_space<vmem>>
          %dma_wait3A_101 = tpu.memref_squeeze %dma_wait3A_100 : memref<1x16384xf32, #tpu.memory_space<vmem>> -> memref<16384xf32, #tpu.memory_space<vmem>>
          tpu.wait_dma2 semaphore(%arg11 : memref<!tpu.dma_semaphore, #tpu.memory_space<semaphore_mem>>) src(%dma_wait3A_101 : memref<16384xf32, #tpu.memory_space<vmem>>) dst(%dma_wait3A_98 : memref<16384xf32, #tpu.memory_space<hbm>>)
        } else {
        }
        %eq3A_83 = arith.constant 1 : i32
        %eq3A_84 = arith.cmpi eq, %rem3A_48, %eq3A_83 : i32
        %convert_element_type3A_85 = arith.extui %eq3A_84 : i1 to i32
        %cond3A_86 = arith.constant 0 : i32
        %cond3A_87 = arith.cmpi ne, %convert_element_type3A_85, %cond3A_86 : i32
        scf.if %cond3A_87 {
          %dma_wait3A_88 = arith.constant 1 : i32
          %dma_wait3A_89 = arith.constant 0 : i32
          %dma_wait3A_90 = arith.constant 0 : i32
          %dma_wait3A_91 = tpu.memref_slice %arg9[%dma_wait3A_88, %dma_wait3A_90] : memref<2x16384xf32, #tpu.memory_space<vmem>> -> memref<1x16384xf32, #tpu.memory_space<vmem>>
          %dma_wait3A_92 = tpu.memref_squeeze %dma_wait3A_91 : memref<1x16384xf32, #tpu.memory_space<vmem>> -> memref<16384xf32, #tpu.memory_space<vmem>>
          %dma_wait3A_93 = arith.constant 0 : i32
          %dma_wait3A_94 = tpu.memref_slice %arg5[%dma_wait3A_89, %dma_wait3A_93] : memref<1024x16384xf32, #tpu.memory_space<hbm>> -> memref<1x16384xf32, #tpu.memory_space<hbm>>
          %dma_wait3A_95 = tpu.memref_squeeze %dma_wait3A_94 : memref<1x16384xf32, #tpu.memory_space<hbm>> -> memref<16384xf32, #tpu.memory_space<hbm>>
          %dma_wait3A_96 = arith.constant 0 : i32
          %dma_wait3A_97 = tpu.memref_slice %arg5[%dma_wait3A_89, %dma_wait3A_96] : memref<1024x16384xf32, #tpu.memory_space<hbm>> -> memref<1x16384xf32, #tpu.memory_space<hbm>>
          %dma_wait3A_98 = tpu.memref_squeeze %dma_wait3A_97 : memref<1x16384xf32, #tpu.memory_space<hbm>> -> memref<16384xf32, #tpu.memory_space<hbm>>
          %dma_wait3A_99 = arith.constant 0 : i32
          %dma_wait3A_100 = tpu.memref_slice %arg9[%dma_wait3A_88, %dma_wait3A_99] : memref<2x16384xf32, #tpu.memory_space<vmem>> -> memref<1x16384xf32, #tpu.memory_space<vmem>>
          %dma_wait3A_101 = tpu.memref_squeeze %dma_wait3A_100 : memref<1x16384xf32, #tpu.memory_space<vmem>> -> memref<16384xf32, #tpu.memory_space<vmem>>
          tpu.wait_dma2 semaphore(%arg12 : memref<!tpu.dma_semaphore, #tpu.memory_space<semaphore_mem>>) src(%dma_wait3A_101 : memref<16384xf32, #tpu.memory_space<vmem>>) dst(%dma_wait3A_98 : memref<16384xf32, #tpu.memory_space<hbm>>)
        } else {
        }
      } else {
      }
      %parallel_loop3A = arith.constant 0 : i32
      %parallel_loop3A_60 = arith.constant 1024 : i32
      %parallel_loop3A_61 = arith.constant 1 : i32
      scf.for %parallel_loop3A_78 = %parallel_loop3A to %parallel_loop3A_60 step %parallel_loop3A_61  : i32 {
        %parallel_loop3A_79 = arith.constant 16 : i32
        %parallel_loop3A_80 = arith.muli %parallel_loop3A_78, %parallel_loop3A_79 : i32
        %parallel_loop3A_81 = arith.index_cast %parallel_loop3A_80 : i32 to index
        %parallel_loop3A_82 = tpu.vector_load %arg7[%parallel_loop3A_81] {strides = array<i32>} : memref<16384xi32, #tpu.memory_space<vmem>>, vector<16xi32>,
        %parallel_loop3A_83 = tpu.vector_load_idx %arg8[%parallel_loop3A_82] : memref<65536xf32, #tpu.memory_space<vmem>>[vector<16xi32>], vector<16xf32>,
        %parallel_loop3A_84 = arith.constant 16 : i32
        %parallel_loop3A_85 = arith.muli %parallel_loop3A_78, %parallel_loop3A_84 : i32
        %parallel_loop3A_86 = arith.index_cast %rem3A_48 : i32 to index
        %parallel_loop3A_87 = arith.index_cast %parallel_loop3A_85 : i32 to index
        %parallel_loop3A_88 = tpu.vector_load %arg9[%parallel_loop3A_86, %parallel_loop3A_87] {strides = array<i32>} : memref<2x16384xf32, #tpu.memory_space<vmem>>, vector<16xf32>,
        tpu.vector_store %arg9[%parallel_loop3A_86, %parallel_loop3A_87], %parallel_loop3A_83 {strides = array<i32>} : memref<2x16384xf32, #tpu.memory_space<vmem>>, vector<16xf32>,
      } {sc.loop_unroll_factor = 8 : i64, sc.parallel_access}
      %eq3A_62 = arith.constant 0 : i32
      %eq3A_63 = arith.cmpi eq, %rem3A_48, %eq3A_62 : i32
      %convert_element_type3A_64 = arith.extui %eq3A_63 : i1 to i32
      %cond3A_65 = arith.constant 0 : i32
      %cond3A_66 = arith.cmpi ne, %convert_element_type3A_64, %cond3A_65 : i32
      scf.if %cond3A_66 {
        %lt3A_78 = arith.constant 32 : i32
        %lt3A_79 = arith.cmpi slt, %while3A_46, %lt3A_78 : i32
        %convert_element_type3A_80 = arith.extui %lt3A_79 : i1 to i32
        %cond3A_81 = arith.constant 0 : i32
        %cond3A_82 = arith.cmpi ne, %convert_element_type3A_80, %cond3A_81 : i32
        scf.if %cond3A_82 {
          %mul3A_88 = arith.constant 32 : i32
          %mul3A_89 = arith.muli %add3A, %mul3A_88 : i32
          %add3A_90 = arith.addi %mul3A_89, %while3A_46 : i32
          %dma_start3A = arith.constant 0 : i32
          %dma_start3A_91 = arith.constant 0 : i32
          %dma_start3A_92 = tpu.memref_slice %arg9[%dma_start3A, %dma_start3A_91] : memref<2x16384xf32, #tpu.memory_space<vmem>> -> memref<1x16384xf32, #tpu.memory_space<vmem>>
          %dma_start3A_93 = tpu.memref_squeeze %dma_start3A_92 : memref<1x16384xf32, #tpu.memory_space<vmem>> -> memref<16384xf32, #tpu.memory_space<vmem>>
          %dma_start3A_94 = arith.constant 0 : i32
          %dma_start3A_95 = tpu.memref_slice %arg5[%add3A_90, %dma_start3A_94] : memref<1024x16384xf32, #tpu.memory_space<hbm>> -> memref<1x16384xf32, #tpu.memory_space<hbm>>
          %dma_start3A_96 = tpu.memref_squeeze %dma_start3A_95 : memref<1x16384xf32, #tpu.memory_space<hbm>> -> memref<16384xf32, #tpu.memory_space<hbm>>
          %dma_start3A_97 = arith.constant 0 : i32
          %dma_start3A_98 = tpu.memref_slice %arg5[%add3A_90, %dma_start3A_97] : memref<1024x16384xf32, #tpu.memory_space<hbm>> -> memref<1x16384xf32, #tpu.memory_space<hbm>>
          %dma_start3A_99 = tpu.memref_squeeze %dma_start3A_98 : memref<1x16384xf32, #tpu.memory_space<hbm>> -> memref<16384xf32, #tpu.memory_space<hbm>>
          %dma_start3A_100 = arith.constant 0 : i32
          %dma_start3A_101 = tpu.memref_slice %arg9[%dma_start3A, %dma_start3A_100] : memref<2x16384xf32, #tpu.memory_space<vmem>> -> memref<1x16384xf32, #tpu.memory_space<vmem>>
          %dma_start3A_102 = tpu.memref_squeeze %dma_start3A_101 : memref<1x16384xf32, #tpu.memory_space<vmem>> -> memref<16384xf32, #tpu.memory_space<vmem>>
          tpu.enqueue_dma source(%dma_start3A_102 : memref<16384xf32, #tpu.memory_space<vmem>>) target(%dma_start3A_99 : memref<16384xf32, #tpu.memory_space<hbm>>) target_semaphore(%arg11 : memref<!tpu.dma_semaphore, #tpu.memory_space<semaphore_mem>>)
        } else {
        }
        %ge3A_83 = arith.constant 32 : i32
        %ge3A_84 = arith.cmpi sge, %while3A_46, %ge3A_83 : i32
        %convert_element_type3A_85 = arith.extui %ge3A_84 : i1 to i32
        %cond3A_86 = arith.constant 0 : i32
        %cond3A_87 = arith.cmpi ne, %convert_element_type3A_85, %cond3A_86 : i32
        scf.if %cond3A_87 {
          %dma_start3A = arith.constant 0 : i32
          %dma_start3A_88 = arith.constant 0 : i32
          %dma_start3A_89 = tpu.memref_slice %arg9[%dma_start3A, %dma_start3A_88] : memref<2x16384xf32, #tpu.memory_space<vmem>> -> memref<1x16384xf32, #tpu.memory_space<vmem>>
          %dma_start3A_90 = tpu.memref_squeeze %dma_start3A_89 : memref<1x16384xf32, #tpu.memory_space<vmem>> -> memref<16384xf32, #tpu.memory_space<vmem>>
          %dma_start3A_91 = arith.constant 0 : i32
          %dma_start3A_92 = tpu.memref_slice %arg6[%add3A, %dma_start3A_91] : memref<24x16384xf32, #tpu.memory_space<hbm>> -> memref<1x16384xf32, #tpu.memory_space<hbm>>
          %dma_start3A_93 = tpu.memref_squeeze %dma_start3A_92 : memref<1x16384xf32, #tpu.memory_space<hbm>> -> memref<16384xf32, #tpu.memory_space<hbm>>
          %dma_start3A_94 = arith.constant 0 : i32
          %dma_start3A_95 = tpu.memref_slice %arg6[%add3A, %dma_start3A_94] : memref<24x16384xf32, #tpu.memory_space<hbm>> -> memref<1x16384xf32, #tpu.memory_space<hbm>>
          %dma_start3A_96 = tpu.memref_squeeze %dma_start3A_95 : memref<1x16384xf32, #tpu.memory_space<hbm>> -> memref<16384xf32, #tpu.memory_space<hbm>>
          %dma_start3A_97 = arith.constant 0 : i32
          %dma_start3A_98 = tpu.memref_slice %arg9[%dma_start3A, %dma_start3A_97] : memref<2x16384xf32, #tpu.memory_space<vmem>> -> memref<1x16384xf32, #tpu.memory_space<vmem>>
          %dma_start3A_99 = tpu.memref_squeeze %dma_start3A_98 : memref<1x16384xf32, #tpu.memory_space<vmem>> -> memref<16384xf32, #tpu.memory_space<vmem>>
          tpu.enqueue_dma source(%dma_start3A_99 : memref<16384xf32, #tpu.memory_space<vmem>>) target(%dma_start3A_96 : memref<16384xf32, #tpu.memory_space<hbm>>) target_semaphore(%arg11 : memref<!tpu.dma_semaphore, #tpu.memory_space<semaphore_mem>>)
        } else {
        }
      } else {
      }
      %eq3A_67 = arith.constant 1 : i32
      %eq3A_68 = arith.cmpi eq, %rem3A_48, %eq3A_67 : i32
      %convert_element_type3A_69 = arith.extui %eq3A_68 : i1 to i32
      %cond3A_70 = arith.constant 0 : i32
      %cond3A_71 = arith.cmpi ne, %convert_element_type3A_69, %cond3A_70 : i32
      scf.if %cond3A_71 {
        %lt3A_78 = arith.constant 32 : i32
        %lt3A_79 = arith.cmpi slt, %while3A_46, %lt3A_78 : i32
        %convert_element_type3A_80 = arith.extui %lt3A_79 : i1 to i32
        %cond3A_81 = arith.constant 0 : i32
        %cond3A_82 = arith.cmpi ne, %convert_element_type3A_80, %cond3A_81 : i32
        scf.if %cond3A_82 {
          %mul3A_88 = arith.constant 32 : i32
          %mul3A_89 = arith.muli %add3A, %mul3A_88 : i32
          %add3A_90 = arith.addi %mul3A_89, %while3A_46 : i32
          %dma_start3A = arith.constant 1 : i32
          %dma_start3A_91 = arith.constant 0 : i32
          %dma_start3A_92 = tpu.memref_slice %arg9[%dma_start3A, %dma_start3A_91] : memref<2x16384xf32, #tpu.memory_space<vmem>> -> memref<1x16384xf32, #tpu.memory_space<vmem>>
          %dma_start3A_93 = tpu.memref_squeeze %dma_start3A_92 : memref<1x16384xf32, #tpu.memory_space<vmem>> -> memref<16384xf32, #tpu.memory_space<vmem>>
          %dma_start3A_94 = arith.constant 0 : i32
          %dma_start3A_95 = tpu.memref_slice %arg5[%add3A_90, %dma_start3A_94] : memref<1024x16384xf32, #tpu.memory_space<hbm>> -> memref<1x16384xf32, #tpu.memory_space<hbm>>
          %dma_start3A_96 = tpu.memref_squeeze %dma_start3A_95 : memref<1x16384xf32, #tpu.memory_space<hbm>> -> memref<16384xf32, #tpu.memory_space<hbm>>
          %dma_start3A_97 = arith.constant 0 : i32
          %dma_start3A_98 = tpu.memref_slice %arg5[%add3A_90, %dma_start3A_97] : memref<1024x16384xf32, #tpu.memory_space<hbm>> -> memref<1x16384xf32, #tpu.memory_space<hbm>>
          %dma_start3A_99 = tpu.memref_squeeze %dma_start3A_98 : memref<1x16384xf32, #tpu.memory_space<hbm>> -> memref<16384xf32, #tpu.memory_space<hbm>>
          %dma_start3A_100 = arith.constant 0 : i32
          %dma_start3A_101 = tpu.memref_slice %arg9[%dma_start3A, %dma_start3A_100] : memref<2x16384xf32, #tpu.memory_space<vmem>> -> memref<1x16384xf32, #tpu.memory_space<vmem>>
          %dma_start3A_102 = tpu.memref_squeeze %dma_start3A_101 : memref<1x16384xf32, #tpu.memory_space<vmem>> -> memref<16384xf32, #tpu.memory_space<vmem>>
          tpu.enqueue_dma source(%dma_start3A_102 : memref<16384xf32, #tpu.memory_space<vmem>>) target(%dma_start3A_99 : memref<16384xf32, #tpu.memory_space<hbm>>) target_semaphore(%arg12 : memref<!tpu.dma_semaphore, #tpu.memory_space<semaphore_mem>>)
        } else {
        }
        %ge3A_83 = arith.constant 32 : i32
        %ge3A_84 = arith.cmpi sge, %while3A_46, %ge3A_83 : i32
        %convert_element_type3A_85 = arith.extui %ge3A_84 : i1 to i32
        %cond3A_86 = arith.constant 0 : i32
        %cond3A_87 = arith.cmpi ne, %convert_element_type3A_85, %cond3A_86 : i32
        scf.if %cond3A_87 {
          %dma_start3A = arith.constant 1 : i32
          %dma_start3A_88 = arith.constant 0 : i32
          %dma_start3A_89 = tpu.memref_slice %arg9[%dma_start3A, %dma_start3A_88] : memref<2x16384xf32, #tpu.memory_space<vmem>> -> memref<1x16384xf32, #tpu.memory_space<vmem>>
          %dma_start3A_90 = tpu.memref_squeeze %dma_start3A_89 : memref<1x16384xf32, #tpu.memory_space<vmem>> -> memref<16384xf32, #tpu.memory_space<vmem>>
          %dma_start3A_91 = arith.constant 0 : i32
          %dma_start3A_92 = tpu.memref_slice %arg6[%add3A, %dma_start3A_91] : memref<24x16384xf32, #tpu.memory_space<hbm>> -> memref<1x16384xf32, #tpu.memory_space<hbm>>
          %dma_start3A_93 = tpu.memref_squeeze %dma_start3A_92 : memref<1x16384xf32, #tpu.memory_space<hbm>> -> memref<16384xf32, #tpu.memory_space<hbm>>
          %dma_start3A_94 = arith.constant 0 : i32
          %dma_start3A_95 = tpu.memref_slice %arg6[%add3A, %dma_start3A_94] : memref<24x16384xf32, #tpu.memory_space<hbm>> -> memref<1x16384xf32, #tpu.memory_space<hbm>>
          %dma_start3A_96 = tpu.memref_squeeze %dma_start3A_95 : memref<1x16384xf32, #tpu.memory_space<hbm>> -> memref<16384xf32, #tpu.memory_space<hbm>>
          %dma_start3A_97 = arith.constant 0 : i32
          %dma_start3A_98 = tpu.memref_slice %arg9[%dma_start3A, %dma_start3A_97] : memref<2x16384xf32, #tpu.memory_space<vmem>> -> memref<1x16384xf32, #tpu.memory_space<vmem>>
          %dma_start3A_99 = tpu.memref_squeeze %dma_start3A_98 : memref<1x16384xf32, #tpu.memory_space<vmem>> -> memref<16384xf32, #tpu.memory_space<vmem>>
          tpu.enqueue_dma source(%dma_start3A_99 : memref<16384xf32, #tpu.memory_space<vmem>>) target(%dma_start3A_96 : memref<16384xf32, #tpu.memory_space<hbm>>) target_semaphore(%arg12 : memref<!tpu.dma_semaphore, #tpu.memory_space<semaphore_mem>>)
        } else {
        }
      } else {
      }
      %add3A_72 = arith.constant 1 : i32
      %add3A_73 = arith.addi %while3A_46, %add3A_72 : i32
      %lt3A_74 = arith.cmpi slt, %add3A_73, %select_n3A : i32
      %convert_element_type3A_75 = arith.extui %lt3A_74 : i1 to i32
      %cond3A_76 = arith.constant 0 : i32
      %cond3A_77 = arith.cmpi ne, %convert_element_type3A_75, %cond3A_76 : i32
      scf.if %cond3A_77 {
        %add3A_78 = arith.constant 1 : i32
        %add3A_79 = arith.addi %while3A_46, %add3A_78 : i32
        %lt3A_80 = arith.constant 32 : i32
        %lt3A_81 = arith.cmpi slt, %add3A_79, %lt3A_80 : i32
        %convert_element_type3A_82 = arith.extui %lt3A_81 : i1 to i32
        %cond3A_83 = arith.constant 0 : i32
        %cond3A_84 = arith.cmpi ne, %convert_element_type3A_82, %cond3A_83 : i32
        scf.if %cond3A_84 {
          %mul3A_90 = arith.constant 32 : i32
          %mul3A_91 = arith.muli %add3A, %mul3A_90 : i32
          %add3A_92 = arith.addi %mul3A_91, %add3A_79 : i32
          %dma_start3A = arith.constant 0 : i32
          %dma_start3A_93 = tpu.memref_slice %arg2[%add3A_92, %dma_start3A] : memref<1024x65536xf32, #tpu.memory_space<hbm>> -> memref<1x65536xf32, #tpu.memory_space<hbm>>
          %dma_start3A_94 = tpu.memref_squeeze %dma_start3A_93 : memref<1x65536xf32, #tpu.memory_space<hbm>> -> memref<65536xf32, #tpu.memory_space<hbm>>
          %dma_start3A_95 = arith.constant 0 : i32
          %dma_start3A_96 = tpu.memref_slice %arg2[%add3A_92, %dma_start3A_95] : memref<1024x65536xf32, #tpu.memory_space<hbm>> -> memref<1x65536xf32, #tpu.memory_space<hbm>>
          %dma_start3A_97 = tpu.memref_squeeze %dma_start3A_96 : memref<1x65536xf32, #tpu.memory_space<hbm>> -> memref<65536xf32, #tpu.memory_space<hbm>>
          tpu.enqueue_dma source(%dma_start3A_97 : memref<65536xf32, #tpu.memory_space<hbm>>) target(%arg8 : memref<65536xf32, #tpu.memory_space<vmem>>) target_semaphore(%arg10 : memref<!tpu.dma_semaphore, #tpu.memory_space<semaphore_mem>>)
        } else {
        }
        %ge3A_85 = arith.constant 32 : i32
        %ge3A_86 = arith.cmpi sge, %add3A_79, %ge3A_85 : i32
        %convert_element_type3A_87 = arith.extui %ge3A_86 : i1 to i32
        %cond3A_88 = arith.constant 0 : i32
        %cond3A_89 = arith.cmpi ne, %convert_element_type3A_87, %cond3A_88 : i32
        scf.if %cond3A_89 {
          %dma_start3A = arith.constant 0 : i32
          %dma_start3A_90 = tpu.memref_slice %arg3[%add3A, %dma_start3A] : memref<24x65536xf32, #tpu.memory_space<hbm>> -> memref<1x65536xf32, #tpu.memory_space<hbm>>
          %dma_start3A_91 = tpu.memref_squeeze %dma_start3A_90 : memref<1x65536xf32, #tpu.memory_space<hbm>> -> memref<65536xf32, #tpu.memory_space<hbm>>
          %dma_start3A_92 = arith.constant 0 : i32
          %dma_start3A_93 = tpu.memref_slice %arg3[%add3A, %dma_start3A_92] : memref<24x65536xf32, #tpu.memory_space<hbm>> -> memref<1x65536xf32, #tpu.memory_space<hbm>>
          %dma_start3A_94 = tpu.memref_squeeze %dma_start3A_93 : memref<1x65536xf32, #tpu.memory_space<hbm>> -> memref<65536xf32, #tpu.memory_space<hbm>>
          tpu.enqueue_dma source(%dma_start3A_94 : memref<65536xf32, #tpu.memory_space<hbm>>) target(%arg8 : memref<65536xf32, #tpu.memory_space<vmem>>) target_semaphore(%arg10 : memref<!tpu.dma_semaphore, #tpu.memory_space<semaphore_mem>>)
        } else {
        }
      } else {
      }
    }
    %rem3A = arith.constant 2 : i32
    %rem3A_22 = arith.remsi %select_n3A, %rem3A : i32
    %eq3A = arith.constant 0 : i32
    %eq3A_23 = arith.cmpi eq, %rem3A_22, %eq3A : i32
    %convert_element_type3A_24 = arith.extui %eq3A_23 : i1 to i32
    %cond3A_25 = arith.constant 0 : i32
    %cond3A_26 = arith.cmpi ne, %convert_element_type3A_24, %cond3A_25 : i32
    scf.if %cond3A_26 {
      %dma_wait3A = arith.constant 0 : i32
      %dma_wait3A_46 = arith.constant 0 : i32
      %dma_wait3A_47 = arith.constant 0 : i32
      %dma_wait3A_48 = tpu.memref_slice %arg9[%dma_wait3A, %dma_wait3A_47] : memref<2x16384xf32, #tpu.memory_space<vmem>> -> memref<1x16384xf32, #tpu.memory_space<vmem>>
      %dma_wait3A_49 = tpu.memref_squeeze %dma_wait3A_48 : memref<1x16384xf32, #tpu.memory_space<vmem>> -> memref<16384xf32, #tpu.memory_space<vmem>>
      %dma_wait3A_50 = arith.constant 0 : i32
      %dma_wait3A_51 = tpu.memref_slice %arg5[%dma_wait3A_46, %dma_wait3A_50] : memref<1024x16384xf32, #tpu.memory_space<hbm>> -> memref<1x16384xf32, #tpu.memory_space<hbm>>
      %dma_wait3A_52 = tpu.memref_squeeze %dma_wait3A_51 : memref<1x16384xf32, #tpu.memory_space<hbm>> -> memref<16384xf32, #tpu.memory_space<hbm>>
      %dma_wait3A_53 = arith.constant 0 : i32
      %dma_wait3A_54 = tpu.memref_slice %arg5[%dma_wait3A_46, %dma_wait3A_53] : memref<1024x16384xf32, #tpu.memory_space<hbm>> -> memref<1x16384xf32, #tpu.memory_space<hbm>>
      %dma_wait3A_55 = tpu.memref_squeeze %dma_wait3A_54 : memref<1x16384xf32, #tpu.memory_space<hbm>> -> memref<16384xf32, #tpu.memory_space<hbm>>
      %dma_wait3A_56 = arith.constant 0 : i32
      %dma_wait3A_57 = tpu.memref_slice %arg9[%dma_wait3A, %dma_wait3A_56] : memref<2x16384xf32, #tpu.memory_space<vmem>> -> memref<1x16384xf32, #tpu.memory_space<vmem>>
      %dma_wait3A_58 = tpu.memref_squeeze %dma_wait3A_57 : memref<1x16384xf32, #tpu.memory_space<vmem>> -> memref<16384xf32, #tpu.memory_space<vmem>>
      tpu.wait_dma2 semaphore(%arg11 : memref<!tpu.dma_semaphore, #tpu.memory_space<semaphore_mem>>) src(%dma_wait3A_58 : memref<16384xf32, #tpu.memory_space<vmem>>) dst(%dma_wait3A_55 : memref<16384xf32, #tpu.memory_space<hbm>>)
    } else {
    }
    %eq3A_27 = arith.constant 1 : i32
    %eq3A_28 = arith.cmpi eq, %rem3A_22, %eq3A_27 : i32
    %convert_element_type3A_29 = arith.extui %eq3A_28 : i1 to i32
    %cond3A_30 = arith.constant 0 : i32
    %cond3A_31 = arith.cmpi ne, %convert_element_type3A_29, %cond3A_30 : i32
    scf.if %cond3A_31 {
      %dma_wait3A = arith.constant 1 : i32
      %dma_wait3A_46 = arith.constant 0 : i32
      %dma_wait3A_47 = arith.constant 0 : i32
      %dma_wait3A_48 = tpu.memref_slice %arg9[%dma_wait3A, %dma_wait3A_47] : memref<2x16384xf32, #tpu.memory_space<vmem>> -> memref<1x16384xf32, #tpu.memory_space<vmem>>
      %dma_wait3A_49 = tpu.memref_squeeze %dma_wait3A_48 : memref<1x16384xf32, #tpu.memory_space<vmem>> -> memref<16384xf32, #tpu.memory_space<vmem>>
      %dma_wait3A_50 = arith.constant 0 : i32
      %dma_wait3A_51 = tpu.memref_slice %arg5[%dma_wait3A_46, %dma_wait3A_50] : memref<1024x16384xf32, #tpu.memory_space<hbm>> -> memref<1x16384xf32, #tpu.memory_space<hbm>>
      %dma_wait3A_52 = tpu.memref_squeeze %dma_wait3A_51 : memref<1x16384xf32, #tpu.memory_space<hbm>> -> memref<16384xf32, #tpu.memory_space<hbm>>
      %dma_wait3A_53 = arith.constant 0 : i32
      %dma_wait3A_54 = tpu.memref_slice %arg5[%dma_wait3A_46, %dma_wait3A_53] : memref<1024x16384xf32, #tpu.memory_space<hbm>> -> memref<1x16384xf32, #tpu.memory_space<hbm>>
      %dma_wait3A_55 = tpu.memref_squeeze %dma_wait3A_54 : memref<1x16384xf32, #tpu.memory_space<hbm>> -> memref<16384xf32, #tpu.memory_space<hbm>>
      %dma_wait3A_56 = arith.constant 0 : i32
      %dma_wait3A_57 = tpu.memref_slice %arg9[%dma_wait3A, %dma_wait3A_56] : memref<2x16384xf32, #tpu.memory_space<vmem>> -> memref<1x16384xf32, #tpu.memory_space<vmem>>
      %dma_wait3A_58 = tpu.memref_squeeze %dma_wait3A_57 : memref<1x16384xf32, #tpu.memory_space<vmem>> -> memref<16384xf32, #tpu.memory_space<vmem>>
      tpu.wait_dma2 semaphore(%arg12 : memref<!tpu.dma_semaphore, #tpu.memory_space<semaphore_mem>>) src(%dma_wait3A_58 : memref<16384xf32, #tpu.memory_space<vmem>>) dst(%dma_wait3A_55 : memref<16384xf32, #tpu.memory_space<hbm>>)
    } else {
    }
    %add3A_32 = arith.constant 1 : i32
    %add3A_33 = arith.addi %select_n3A, %add3A_32 : i32
    %rem3A_34 = arith.constant 2 : i32
    %rem3A_35 = arith.remsi %add3A_33, %rem3A_34 : i32
    %eq3A_36 = arith.constant 0 : i32
    %eq3A_37 = arith.cmpi eq, %rem3A_35, %eq3A_36 : i32
    %convert_element_type3A_38 = arith.extui %eq3A_37 : i1 to i32
    %cond3A_39 = arith.constant 0 : i32
    %cond3A_40 = arith.cmpi ne, %convert_element_type3A_38, %cond3A_39 : i32
    scf.if %cond3A_40 {
      %dma_wait3A = arith.constant 0 : i32
      %dma_wait3A_46 = arith.constant 0 : i32
      %dma_wait3A_47 = arith.constant 0 : i32
      %dma_wait3A_48 = tpu.memref_slice %arg9[%dma_wait3A, %dma_wait3A_47] : memref<2x16384xf32, #tpu.memory_space<vmem>> -> memref<1x16384xf32, #tpu.memory_space<vmem>>
      %dma_wait3A_49 = tpu.memref_squeeze %dma_wait3A_48 : memref<1x16384xf32, #tpu.memory_space<vmem>> -> memref<16384xf32, #tpu.memory_space<vmem>>
      %dma_wait3A_50 = arith.constant 0 : i32
      %dma_wait3A_51 = tpu.memref_slice %arg5[%dma_wait3A_46, %dma_wait3A_50] : memref<1024x16384xf32, #tpu.memory_space<hbm>> -> memref<1x16384xf32, #tpu.memory_space<hbm>>
      %dma_wait3A_52 = tpu.memref_squeeze %dma_wait3A_51 : memref<1x16384xf32, #tpu.memory_space<hbm>> -> memref<16384xf32, #tpu.memory_space<hbm>>
      %dma_wait3A_53 = arith.constant 0 : i32
      %dma_wait3A_54 = tpu.memref_slice %arg5[%dma_wait3A_46, %dma_wait3A_53] : memref<1024x16384xf32, #tpu.memory_space<hbm>> -> memref<1x16384xf32, #tpu.memory_space<hbm>>
      %dma_wait3A_55 = tpu.memref_squeeze %dma_wait3A_54 : memref<1x16384xf32, #tpu.memory_space<hbm>> -> memref<16384xf32, #tpu.memory_space<hbm>>
      %dma_wait3A_56 = arith.constant 0 : i32
      %dma_wait3A_57 = tpu.memref_slice %arg9[%dma_wait3A, %dma_wait3A_56] : memref<2x16384xf32, #tpu.memory_space<vmem>> -> memref<1x16384xf32, #tpu.memory_space<vmem>>
      %dma_wait3A_58 = tpu.memref_squeeze %dma_wait3A_57 : memref<1x16384xf32, #tpu.memory_space<vmem>> -> memref<16384xf32, #tpu.memory_space<vmem>>
      tpu.wait_dma2 semaphore(%arg11 : memref<!tpu.dma_semaphore, #tpu.memory_space<semaphore_mem>>) src(%dma_wait3A_58 : memref<16384xf32, #tpu.memory_space<vmem>>) dst(%dma_wait3A_55 : memref<16384xf32, #tpu.memory_space<hbm>>)
    } else {
    }
    %eq3A_41 = arith.constant 1 : i32
    %eq3A_42 = arith.cmpi eq, %rem3A_35, %eq3A_41 : i32
    %convert_element_type3A_43 = arith.extui %eq3A_42 : i1 to i32
    %cond3A_44 = arith.constant 0 : i32
    %cond3A_45 = arith.cmpi ne, %convert_element_type3A_43, %cond3A_44 : i32
    scf.if %cond3A_45 {
      %dma_wait3A = arith.constant 1 : i32
      %dma_wait3A_46 = arith.constant 0 : i32
      %dma_wait3A_47 = arith.constant 0 : i32
      %dma_wait3A_48 = tpu.memref_slice %arg9[%dma_wait3A, %dma_wait3A_47] : memref<2x16384xf32, #tpu.memory_space<vmem>> -> memref<1x16384xf32, #tpu.memory_space<vmem>>
      %dma_wait3A_49 = tpu.memref_squeeze %dma_wait3A_48 : memref<1x16384xf32, #tpu.memory_space<vmem>> -> memref<16384xf32, #tpu.memory_space<vmem>>
      %dma_wait3A_50 = arith.constant 0 : i32
      %dma_wait3A_51 = tpu.memref_slice %arg5[%dma_wait3A_46, %dma_wait3A_50] : memref<1024x16384xf32, #tpu.memory_space<hbm>> -> memref<1x16384xf32, #tpu.memory_space<hbm>>
      %dma_wait3A_52 = tpu.memref_squeeze %dma_wait3A_51 : memref<1x16384xf32, #tpu.memory_space<hbm>> -> memref<16384xf32, #tpu.memory_space<hbm>>
      %dma_wait3A_53 = arith.constant 0 : i32
      %dma_wait3A_54 = tpu.memref_slice %arg5[%dma_wait3A_46, %dma_wait3A_53] : memref<1024x16384xf32, #tpu.memory_space<hbm>> -> memref<1x16384xf32, #tpu.memory_space<hbm>>
      %dma_wait3A_55 = tpu.memref_squeeze %dma_wait3A_54 : memref<1x16384xf32, #tpu.memory_space<hbm>> -> memref<16384xf32, #tpu.memory_space<hbm>>
      %dma_wait3A_56 = arith.constant 0 : i32
      %dma_wait3A_57 = tpu.memref_slice %arg9[%dma_wait3A, %dma_wait3A_56] : memref<2x16384xf32, #tpu.memory_space<vmem>> -> memref<1x16384xf32, #tpu.memory_space<vmem>>
      %dma_wait3A_58 = tpu.memref_squeeze %dma_wait3A_57 : memref<1x16384xf32, #tpu.memory_space<vmem>> -> memref<16384xf32, #tpu.memory_space<vmem>>
      tpu.wait_dma2 semaphore(%arg12 : memref<!tpu.dma_semaphore, #tpu.memory_space<semaphore_mem>>) src(%dma_wait3A_58 : memref<16384xf32, #tpu.memory_space<vmem>>) dst(%dma_wait3A_55 : memref<16384xf32, #tpu.memory_space<hbm>>)
    } else {
    }
    return
  }
}

</mosaic_0001>

<sc_bundles>
// kernel: kernel.3.cloned.1.call-start
scs
__scs_entry_jumppad:
0x0: {  	(pc) =	sbr.rel $0x88, $3  }
0x1: {  	(tag) =	ssettag $0x0;
	lr =	simm.s32 $0x1  }
0x2: {  	[smem:$0x3F9F] =	sst lr;
	_ =	strace $0xD0000000  }
0x3: {  	_ = 	snop  }
0x4: {  	_ = 	snop  }
0x5: {  	_ = 	snop  }
0x6: {  	_ = 	snop  }
0x7: {  	_ = 	snop  }
__scs_overlays_trampoline_lowered:
0x8: {  	[smem:$0x3FAE] =	sst s0  }
0x9: {  	[smem:$0x3FAF] =	sst s1  }
0xa: {  	[smem:$0x3FB0] =	sst s2  }
0xb: {  	[smem:$0x3FB1] =	sst s3  }
0xc: {  	[smem:$0x3FB2] =	sst s4  }
0xd: {  	[smem:$0x3FB3] =	sst s5  }
0xe: {  	[smem:$0x3FB4] =	sst s6  }
0xf: {  	[smem:$0x3FB5] =	sst s7  }
0x10: {  	[smem:$0x3FB6] =	sst s8  }
0x11: {  	[smem:$0x3FB7] =	sst s9;
	s0 =	simm.s32 @!p0 $0x0  }
0x12: {  	s1 =	sld [smem:$0x3F9D];
	s0 =	simm.s32 @p0 $0x1  }
0x13: {  	[smem:$0x3FB8] =	sst s0;
	s0 =	simm.s32 @!p1 $0x0  }
0x14: {  	s2 =	sld [smem:$0x3F9C];
	s0 =	simm.s32 @p1 $0x1  }
0x15: {  	[smem:$0x3FB9] =	sst s0;
	s0 =	simm.s32 @!p2 $0x0  }
0x16: {  	s3 =	sld [smem:$0x3FDB];
	s0 =	simm.s32 @p2 $0x1  }
0x17: {  	s4 =	simm.s32 $0x1BF5;
	[smem:$0x3FBB] =	sst s0  }
0x18: {  	s0 =	sld [smem:$0x3F9E];
	_ =	swait.ge [sflag:s4], $0x0  }
0x19: {  	s7 =	sld [smem:$0x3F9F]  }
0x1a: {  	s8 =	sadd.s32 $0xFFFFE003, lr  }
0x1b: {  	s9 =	sadd.s32 $0xFFFFFEF7, lr;
	s5 =	simm.s32 $0xFFFFFFFF;
	p2 =	slt.u32 s8, $0xFFFFF086  }
0x1c: {  	p1 =	slt.u32 s9, $0xF7A;
	s5 =	simm.s32 @!p2 $0x0  }
0x1d: {  	s5 =	simm.s32 @p1 $0x1;
	p0 =	seq.s32 s7, s2  }
0x1e: {  	s7 =	smul.u32 @!p0 $0xF7A, s2;
	p2 =	seq.s32 @!p0 s5, $0x0  }
0x1f: {  	s9 =	smul.u32 $0xF7A, s1;
	s8 =	simm.s32 @!p0 $0x1BF5;
	p2 =	por !p2, p0  }
0x20: {  	[sflag:s8] =	ssyncset.s32 @!p0 $0xFFFFF086;
	s6 =	sadd.s32 @!p0 s3, s7;
	s7 =	simm.s32 @!p0 $0x108  }
0x21: {  	s3 =	sadd.s32 s3, s9;
	s6 =	sadd.s32 @!p0 $0x88, s6;
	s7 =	simm.s32 @p2 $0x1082  }
0x22: {  	[simem:s7], [sflag:s8] =	dma.local @!p0 [hbm:s6], $0xF7A  }
0x23: {  	s9 =	sor.u32 $0xD0000000, s2;
	s6 =	simm.s32 $0x108;
	_ =	swait.ge @!p0 [sflag:s8], $0x0  }
0x24: {  	s3 =	sadd.s32 $0x88, s3;
	s6 =	simm.s32 @!p1 $0x1082;
	[sflag:s4] =	ssyncset.s32 $0xFFFFF086  }
0x25: {  	[simem:s6], [sflag:s4] =	dma.local [hbm:s3], $0xF7A  }
0x26: {  	[smem:$0x3F9F] =	sst s1;
	(tag) =	ssettag s2;
	_ =	strace s9  }
0x27: {  	s1 =	sld [smem:$0x3FAF]  }
0x28: {  	s2 =	sld [smem:$0x3FB0]  }
0x29: {  	s4 =	sld [smem:$0x3FB2]  }
0x2a: {  	p0 =	seq.s32 s5, $0x0;
	s5 =	sld [smem:$0x3FB3]  }
0x2b: {  	s6 =	sld [smem:$0x3FB4]  }
0x2c: {  	s7 =	sld [smem:$0x3FB5]  }
0x2d: {  	s3 =	simm.s32 $0x108;
	s8 =	sld [smem:$0x3FB6]  }
0x2e: {  	s3 =	simm.s32 @!p0 $0x1082;
	s9 =	sld [smem:$0x3FB7]  }
0x2f: {  	lr =	sadd.s32 s0, s3;
	s0 =	sld [smem:$0x3FAE]  }
0x30: {  	s3 =	sld [smem:$0x3FB1]  }
0x31: {  	[smem:$0x3FBA] =	sst s10  }
0x32: {  	s10 =	sld [smem:$0x3FB8];
	_ =	sdelay $0x3  }
0x33: {  	p0 =	seq.s32 s10, $0x1;
	s10 =	sld [smem:$0x3FBA];
	_ =	sdelay $0x3  }
0x34: {  	[smem:$0x3FBA] =	sst s10  }
0x35: {  	s10 =	sld [smem:$0x3FB9];
	_ =	sdelay $0x3  }
0x36: {  	p1 =	seq.s32 s10, $0x1;
	s10 =	sld [smem:$0x3FBA];
	_ =	sdelay $0x3  }
0x37: {  	[smem:$0x3FBA] =	sst s10  }
0x38: {  	s10 =	sld [smem:$0x3FBB]  }
0x39: {  	_ = 	snop;
	(pc) =	sbr.ind lr, $3  }
0x3a: {  	_ = 	snop  }
0x3b: {  	_ = 	snop  }
0x3c: {  	p2 =	seq.s32 s10, $0x1;
	s10 =	sld [smem:$0x3FBA]  }
0x3d: {  	_ =	shalt  }
0x3e: {  	_ =	shalt  }
0x3f: {  	_ =	shalt  }
0x40: {  	_ =	shalt  }
0x41: {  	_ =	shalt  }
0x42: {  	_ =	shalt  }
0x43: {  	_ =	shalt  }
0x44: {  	_ =	shalt  }
0x45: {  	_ =	shalt  }
0x46: {  	_ =	shalt  }
0x47: {  	_ =	shalt  }
0x48: {  	_ =	shalt  }
0x49: {  	_ =	shalt  }
0x4a: {  	_ =	shalt  }
0x4b: {  	_ =	shalt  }
0x4c: {  	_ =	shalt  }
0x4d: {  	_ =	shalt  }
0x4e: {  	_ =	shalt  }
0x4f: {  	_ =	shalt  }
0x50: {  	_ =	shalt  }
0x51: {  	_ =	shalt  }
0x52: {  	_ =	shalt  }
0x53: {  	_ =	shalt  }
0x54: {  	_ =	shalt  }
0x55: {  	_ =	shalt  }
0x56: {  	_ =	shalt  }
0x57: {  	_ =	shalt  }
0x58: {  	_ =	shalt  }
0x59: {  	_ =	shalt  }
0x5a: {  	_ =	shalt  }
0x5b: {  	_ =	shalt  }
0x5c: {  	_ =	shalt  }
0x5d: {  	_ =	shalt  }
0x5e: {  	_ =	shalt  }
0x5f: {  	_ =	shalt  }
0x60: {  	_ =	shalt  }
0x61: {  	_ =	shalt  }
0x62: {  	_ =	shalt  }
0x63: {  	_ =	shalt  }
0x64: {  	_ =	shalt  }
0x65: {  	_ =	shalt  }
0x66: {  	_ =	shalt  }
0x67: {  	_ =	shalt  }
0x68: {  	_ =	shalt  }
0x69: {  	_ =	shalt  }
0x6a: {  	_ =	shalt  }
0x6b: {  	_ =	shalt  }
0x6c: {  	_ =	shalt  }
0x6d: {  	_ =	shalt  }
0x6e: {  	_ =	shalt  }
0x6f: {  	_ =	shalt  }
0x70: {  	_ =	shalt  }
0x71: {  	_ =	shalt  }
0x72: {  	_ =	shalt  }
0x73: {  	_ =	shalt  }
0x74: {  	_ =	shalt  }
0x75: {  	_ =	shalt  }
0x76: {  	_ =	shalt  }
0x77: {  	_ =	shalt  }
0x78: {  	_ =	shalt  }
0x79: {  	_ =	shalt  }
0x7a: {  	_ =	shalt  }
0x7b: {  	_ =	shalt  }
0x7c: {  	_ =	shalt  }
0x7d: {  	_ =	shalt  }
0x7e: {  	_ =	shalt  }
0x7f: {  	_ =	shalt  }
0x80: {  	_ =	shalt  }
0x81: {  	_ =	shalt  }
0x82: {  	_ =	shalt  }
0x83: {  	_ =	shalt  }
0x84: {  	_ =	shalt  }
0x85: {  	_ =	shalt  }
0x86: {  	_ =	shalt  }
0x87: {  	_ =	shalt  }
.Lfunc_end0:
.L_simem_size_0:
called_computation_lowered:
.L_overlay_start_0:
0x88: {  	s2 =	sld [smem:$0x3FD9]  }
0x89: {  	s3 =	sld [smem:$0x3FFE];
	_ =	sdelay $0x1  }
0x8a: {  	s1 =	srdreg.scid  }
0x8b: {  	s0 =	sand.u32 $0x1, s1  }
0x8c: {  	s14 =	sshll.u32 s0, $0xA;
	s2 =	sadd.s32 s3, s2  }
0x8d: {  	s2 =	sadd.s32 s2, s14  }
0x8e: {  	[smem:$0x3FC6] =	sst s2  }
0x8f: {  	_ = 	snop  }
0x90: {  	s2 =	sld [smem:$0x3FD0];
	_ =	sdelay $0x2  }
0x91: {  	s4 =	simm.s32 $0xA;
	s5 =	simm.s32 $0x10;
	s15 =	sld [smem:$0x3FC9]  }
0x92: {  	[smem:s5], [sflag:s4] =	dma.local [hbm:s2], $0x1  }
0x93: {  	_ =	swait.eq [sflag:s4], $0x1  }
0x94: {  	[sflag:s4] =	ssyncset.done $0x0  }
0x95: {  	s16 =	sld [smem:$0x10];
	[sflag:s4] =	ssyncadd.s32 $0xFFFFFFFF  }
0x96: {  	s17 =	sld [smem:$0x11];
	(tm) =	ssettm $0x1  }
0x97: {  	s18 =	sld [smem:$0x3FFB];
	_ =	sdelay $0x3  }
0x98: {  	_ =	strace s18  }
0x99: {  	s5 =	sld [smem:$0x3FFC];
	_ =	sdelay $0x3  }
0x9a: {  	_ =	strace s5  }
0x9b: {  	s5 =	sld [smem:$0x3FFD];
	_ =	sdelay $0x3  }
0x9c: {  	_ =	strace s5  }
0x9d: {  	_ =	strace $0x8FFFFFFF  }
0x9e: {  	s19 =	sld [smem:$0x3FDB];
	_ =	sdelay $0x1  }
0x9f: {  	s6 =	simm.s32 $_scs_section_size  }
0xa0: {  	s7 =	simm.s32 $_size__tile_overlayer_lowered;
	s8 =	simm.s32 $_tile_overlayer_lowered  }
0xa1: {  	s22 =	simm.s32 $0x1BFF;
	s21 =	sshll.u32 s8, $0x1;
	s5 =	sadd.s32 s6, s19  }
0xa2: {  	s9 =	simm.s32 $0x0;
	s20 =	sshll.u32 s7, $0x1;
	s7 =	sadd.s32 s21, s5  }
0xa3: {  	[timem:s9], [sflag:s22] =	dma.local [hbm:s7], s20  }
0xa4: {  	_ =	swait.ge [sflag:s22], s20  }
0xa5: {  	s6 =	ssub.s32 $0x0, s20;
	[sflag:s22] =	ssyncset.done $0x0  }
0xa6: {  	[sflag:s22] =	ssyncadd.s32 s6;
	_ =	sdelay $0x1  }
0xa7: {  	s23 =	simm.s32 $0x1B8B  }
0xa8: {  	_ =	swait.ge [sflag:s23], $0x1  }
0xa9: {  	[sflag:s23] =	ssyncset.done $0x0  }
0xaa: {  	s25 =	simm.s32 $0x1B8E;
	s24 =	sld [smem:$0x3FFE];
	[sflag:s23] =	ssyncadd.s32 $0xFFFFFFFF  }
0xab: {  	s26 =	simm.s32 $execute0_lowered;
	[smem:$0x3FD2] =	sst s25  }
0xac: {  	s7 =	sshll.u32 s26, $0x1;
	_ =	strace $0x80000046;
	[dreg:$0x1] =	wrdreg $0xFFFFFFFF  }
0xad: {  	s28 =	simm.s32 $_size_execute0_lowered;
	s5 =	sadd.s32 s5, s7;
	[dreg:$0x0] =	wrdreg $0x0  }
0xae: {  	s7 =	sshll.u32 s28, $0x1;
	[dreg:$0x2] =	wrdreg s5  }
0xaf: {  	[dreg:$0x3] =	wrdreg s7  }
0xb0: {  	[dreg:$0x4] =	wrdreg $0xC0  }
0xb1: {  	_ =	task [dreg:s9], $0x5FFFF  }
0xb2: {  	[dreg:$0x1] =	wrdreg $0xFFFFFFFF  }
0xb3: {  	[dreg:$0x0] =	wrdreg $0x60  }
0xb4: {  	[dreg:$0x2] =	wrdreg s15  }
0xb5: {  	[dreg:$0x3] =	wrdreg s24  }
0xb6: {  	[dreg:$0x4] =	wrdreg s16  }
0xb7: {  	[dreg:$0x5] =	wrdreg s17  }
0xb8: {  	[dreg:$0x6] =	wrdreg $0x9  }
0xb9: {  	_ =	task.clear_ibuf [dreg:s9], $0x7FFFF;
	_ =	strace $0x90000046  }
0xba: {  	s29 =	simm.s32 $0x9;
	_ =	strace $0x80000048  }
0xbb: {  	_ =	swait.ge [sflag:s29], $0x1  }
0xbc: {  	[sflag:s29] =	ssyncadd.s32 $0xFFFFFFFF  }
0xbd: {  	_ =	strace $0x90000048  }
0xbe: {  	_ =	sfence  }
0xbf: {  	s30 =	sld [smem:$0x0];
	_ =	sdelay $0x2  }
0xc0: {  	s31 =	sshll.u32 s1, $0xD;
	s1 =	sshrl.u32 s1, $0x2  }
0xc1: {  	s3 =	sand.u32 $0x4000, s31;
	s1 =	sadd.s32 s1, s30  }
0xc2: {  	s0 =	sor.u32 s3, s0;
	s1 =	sshll.u32 s1, $0x11  }
0xc3: {  	s0 =	sor.u32 s1, s0  }
0xc4: {  	s0 =	sadd.s32 $0x8F2B, s0  }
0xc5: {  	[sflag:s0] =	ssyncadd.remote.s32 $0x1  }
0xc6: {  	_ =	sfence.sel $0xFFFF  }
0xc7: {  	[dreg:$0x0] =	wrdreg $0xFFFFFFFF;
	(pc) =	sbr.abs _section_cstart, $3  }
0xc8: {  	[dreg:$0x1] =	wrdreg $0xFFFFFFFF  }
0xc9: {  	_ =	task.clear_ibuf [dreg:s9], $0x2FFFF;
	_ =	strace $0x9FFFFFFF  }
0xca: {  	(tm) =	ssettm $0x7FFFFFFF  }
0xcb: {  	_ =	shalt  }
tec
execute0_lowered:
.L_overlay_start_1:
0x0: {  	(tag) =	ssettag $0x1  }
0x1: {  	s1 =	rddreg [dreg:$0x0]  }
0x2: {  	s3 =	rddreg [dreg:$0x1]  }
0x3: {  	s4 =	rddreg [dreg:$0x2]  }
0x4: {  	s9 =	rddreg [dreg:$0x3]  }
0x5: {  	s0 =	rddreg [dreg:$0x4]  }
0x6: {  	s2 =	stileid.u32;
	s6 =	srdreg.scid;
	s5 =	simm.s32 $0x0  }
0x7: {  	s14 =	simm.s32 $0x4;
	s15 =	simm.s32 $0x80;
	s16 =	simm.s32 $0x400  }
0x8: {  	s17 =	simm.s32 $0x4000;
	s18 =	simm.s32 $0x1;
	s19 =	simm.s32 $0x0  }
0x9: {  	s7 =	sshll.u32 s2, $0xE;
	s8 =	sand.u32 $0x1, s6;
	[smem:$0x7FF] =	sst s5  }
0xa: {  	s12 =	sshll.u32 s2, $0x1;
	p0 =	slt.u32 s2, $0xC;
	s6 =	simm.s32 $0x21  }
0xb: {  	s30 =	sshll.u32 s2, $0xC;
	s28 =	sand.u32 $0x30000, s7;
	s29 =	ssub.s32 $0x2, s8  }
0xc: {  	_ =	strace $0x80000047;
	s8 =	sor.u32 s8, s12;
	s6 =	simm.s32 @!p0 $0x20  }
0xd: {  	s10 =	sadd.s32 s28, s3;
	s11 =	sshrl.u32 s29, $0x1;
	s7 =	sshll.u32 s8, $0x5  }
0xe: {  	s12 =	sshll.u32 s8, $0x4;
	s8 =	sshll.u32 s8, $0x12;
	s31 =	sand.u32 $0x1, s6  }
.Ltmp0:
0xf: {  	s13 =	ssub.s32 s29, s11;
	s11 =	sand.u32 $0xC000, s30;
	(pc) =	sbr.rel .LBB2_1-.Ltmp0, $4  }
0x10: {  	s12 =	sand.u32 $0x70, s12;
	s8 =	sadd.s32 s1, s8;
	p0 =	seq.s32 s31, $0x1  }
0x11: {  	s9 =	sadd.s32 s9, s11;
	s10 =	sadd.s32 s12, s10;
	s11 =	simm.s32 $0x3  }
0x12: {  	s13 =	smax.u32 s13, $0x1;
	s9 =	sadd.s32 s12, s9;
	s12 =	simm.s32 $0x2  }
0x13: {  	s10 =	sadd.s32 $0x800, s10;
	s11 =	simm.s32 @!p0 $0x2;
	s12 =	simm.s32 @!p0 $0x3  }
.LBB2_20:
0x14: {  	s19 =	sadd.s32 $0x1, s19  }
0x15: {  	_ =	swait.ge [sflag:s11], $0x4000;
	p0 =	sne.s32 s19, s13  }
.Ltmp1:
0x16: {  	[sflag:s11] =	ssyncset.done $0x0;
	(pc) =	sbr.rel @!p0 .LBB2_21-.Ltmp1, $4  }
0x17: {  	[sflag:s11] =	ssyncadd.s32 $0xFFFFC000  }
0x18: {  	_ =	swait.ge [sflag:s12], $0x4000  }
0x19: {  	[sflag:s12] =	ssyncset.done $0x0  }
0x1a: {  	[sflag:s12] =	ssyncadd.s32 $0xFFFFC000  }
.LBB2_1:
0x1b: {  	[tilespmem:s5], [sflag:$0x4] =	stream.linear.gather [hbm4b:s3+s5], $0x4000, $0x38;
	[tilespmem:$0x1C000] =	vst v63  }
.Ltmp2:
0x1c: {  	_ = 	snop;
	(pc) =	sbr.rel .LBB2_2-.Ltmp2, $4  }
0x1d: {  	_ =	swait.ge [sflag:s14], $0x4000  }
0x1e: {  	[sflag:s14] =	ssyncset.done $0x0  }
0x1f: {  	p0 =	por $0x0, $0x0;
	s20 =	simm.s32 $0x0;
	[sflag:s14] =	ssyncadd.s32 $0xFFFFC000  }
0x20: {  	[tilespmem:s17], [sflag:$0x1] =	stream.strided.gather [hbm4b:s8+s15], $0x10000, s16, s15, $0x38;
	[tilespmem:$0x1C000] =	vst v63  }
.LBB2_19:
0x21: {  	s21 =	sadd.s32 $0x1, s20  }
0x22: {  	p1 =	sge.u32 s21, s6  }
0x23: {  	p2 =	sgt.u32 @!p1 s20, $0x1E  }
0x24: {  	p3 =	por p2, p1  }
0x25: {  	s20 =	sadd.s32 @!p3 s7, s21;
	s22 =	sshll.u32 @!p3 s21, $0x4  }
0x26: {  	s20 =	sshll.u32 @!p3 s20, $0xD;
	s22 =	sand.u32 @!p3 $0x70, s22  }
0x27: {  	s23 =	simm.s32 @!p1 $0x400;
	s20 =	sand.u32 @!p3 $0xFFF0000, s20;
	s22 =	sadd.s32 @!p3 s1, s22  }
0x28: {  	p2 =	por !p2, p1;
	s20 =	sadd.s32 @!p3 s20, s22;
	s22 =	smov.u32 s10  }
0x29: {  	s24 =	simm.s32 @!p1 $0x4000;
	s22 =	smov.u32 @p2 s20;
	s20 =	simm.s32 @!p1 $0x80  }
0x2a: {  	[tilespmem:s24], [sflag:$0x1] =	stream.strided.gather @!p1 [hbm4b:s22+s20], $0x10000, s23, s20, $0x38;
	[tilespmem:$0x1C000] =	vst v63  }
0x2b: {  	p1 =	sne.s32 s21, s6  }
.Ltmp3:
0x2c: {  	_ = 	snop;
	(pc) =	sbr.rel @!p1 .LBB2_20-.Ltmp3, $2  }
0x2d: {  	_ =	sdelay $0x2  }
0x2e: {  	p0 =	por !p0, !p0;
	s20 =	smov.u32 s21  }
.LBB2_2:
0x2f: {  	p1 =	slt.u32 s20, $0x2  }
0x30: {  	s21 =	sand.u32 @!p1 $0x1, s20  }
0x31: {  	_ =	swait.ge [sflag:s18], $0x10000;
	p2 =	seq.s32 @!p1 s21, $0x1  }
0x32: {  	[sflag:s18] =	ssyncset.done $0x0;
	s21 =	simm.s32 @!p1 $0x3;
	p2 =	por !p2, p1  }
0x33: {  	[sflag:s18] =	ssyncadd.s32 $0xFFFF0000;
	s21 =	simm.s32 @p2 $0x2  }
0x34: {  	_ =	swait.ge @!p1 [sflag:s21], $0x4000  }
0x35: {  	[sflag:s21] =	ssyncset.done @!p1 $0x0  }
0x36: {  	s31 =	simm.s32 $0x40;
	[sflag:s21] =	ssyncadd.s32 @!p1 $0xFFFFC000  }
0x37: {  	v0 =	vld [tilespmem:s31+$0x30]  }
0x38: {  	v1 =	vld [tilespmem:s31+$0xFFFFFFD0]  }
0x39: {  	v2 =	vld [tilespmem:s31+$0xFFFFFFE0]  }
0x3a: {  	v3 =	vld [tilespmem:s31+$0xFFFFFFF0]  }
0x3b: {  	v4 =	vld [tilespmem:s31+$0x0]  }
0x3c: {  	v6 =	vld [tilespmem:s31+$0x10]  }
0x3d: {  	v7 =	vld [tilespmem:s31+$0x20]  }
0x3e: {  	v8 =	vld [tilespmem:s31+$0xFFFFFFC0]  }
0x3f: {  	v9 =	vld.idx.msk [tilespmem:v0+s17+$0x0], $0xffff  }
0x40: {  	v10 =	vld.idx.msk [tilespmem:v1+s17+$0x0], $0xffff  }
0x41: {  	s21 =	simm.s32 $0x1;
	v5 =	vld.idx.msk [tilespmem:v2+s17+$0x0], $0xffff  }
0x42: {  	s21 =	simm.s32 @!p0 $0x0;
	v1 =	vld.idx.msk [tilespmem:v3+s17+$0x0], $0xffff  }
0x43: {  	s21 =	sshll.u32 s21, $0x7;
	v2 =	vld.idx.msk [tilespmem:v4+s17+$0x0], $0xffff  }
0x44: {  	s21 =	sor.u32 $0x14040, s21;
	v3 =	vld.idx.msk [tilespmem:v6+s17+$0x0], $0xffff  }
0x45: {  	v0 =	vld.idx.msk [tilespmem:v7+s17+$0x0], $0xffff;
	[tilespmem:s21+$0x30] =	vst v9  }
0x46: {  	s22 =	simm.s32 $0x0;
	s23 =	simm.s32 $0xC0;
	v4 =	vld.idx.msk [tilespmem:v8+s17+$0x0], $0xffff;
	[tilespmem:s21+$0xFFFFFFD0] =	vst v10  }
.LBB2_3:
0x47: {  	v6 =	vld [tilespmem:s23+$0x30];
	s22 =	sadd.s32 $0x8, s22;
	[tilespmem:s21+$0xFFFFFFE0] =	vst v5  }
0x48: {  	v5 =	vld [tilespmem:s23+$0xFFFFFFD0];
	p1 =	slt.u32 s22, $0x3F8;
	[tilespmem:s21+$0xFFFFFFF0] =	vst v1  }
0x49: {  	v1 =	vld [tilespmem:s23+$0xFFFFFFE0];
	[tilespmem:s21+$0x0] =	vst v2  }
0x4a: {  	v2 =	vld [tilespmem:s23+$0xFFFFFFF0];
	[tilespmem:s21+$0x10] =	vst v3  }
0x4b: {  	v3 =	vld [tilespmem:s23+$0x0];
	[tilespmem:s21+$0x20] =	vst v0  }
0x4c: {  	v0 =	vld [tilespmem:s23+$0x10];
	[tilespmem:s21+$0xFFFFFFC0] =	vst v4  }
0x4d: {  	v4 =	vld [tilespmem:s23+$0x20]  }
0x4e: {  	v7 =	vld [tilespmem:s23+$0xFFFFFFC0]  }
0x4f: {  	v6 =	vld.idx.msk [tilespmem:v6+s17+$0x0], $0xffff  }
0x50: {  	v8 =	vld.idx.msk [tilespmem:v5+s17+$0x0], $0xffff  }
0x51: {  	v5 =	vld.idx.msk [tilespmem:v1+s17+$0x0], $0xffff  }
.Ltmp4:
0x52: {  	v1 =	vld.idx.msk [tilespmem:v2+s17+$0x0], $0xffff;
	(pc) =	sbr.rel @p1 .LBB2_3-.Ltmp4, $4  }
0x53: {  	v2 =	vld.idx.msk [tilespmem:v3+s17+$0x0], $0xffff  }
0x54: {  	s21 =	sadd.s32 $0x100, s21;
	v3 =	vld.idx.msk [tilespmem:v0+s17+$0x0], $0xffff  }
0x55: {  	v0 =	vld.idx.msk [tilespmem:v4+s17+$0x0], $0xffff;
	[tilespmem:s21+$0x30] =	vst v6  }
0x56: {  	s23 =	sadd.s32 $0x80, s23;
	v4 =	vld.idx.msk [tilespmem:v7+s17+$0x0], $0xffff;
	[tilespmem:s21+$0xFFFFFFD0] =	vst v8  }
0x57: {  	s22 =	sand.u32 $0x1, s20  }
0x58: {  	[tilespmem:s21+$0xFFFFFFE0] =	vst v5;
	p2 =	seq.s32 s22, $0x1  }
.Ltmp5:
0x59: {  	[tilespmem:s21+$0xFFFFFFF0] =	vst v1;
	(pc) =	sbr.rel @!p2 .LBB2_5-.Ltmp5, $4  }
0x5a: {  	[tilespmem:s21+$0x0] =	vst v2  }
0x5b: {  	[tilespmem:s21+$0x10] =	vst v3  }
0x5c: {  	[tilespmem:s21+$0x20] =	vst v0  }
0x5d: {  	p1 =	sgt.u32 s20, $0x1F;
	[tilespmem:s21+$0xFFFFFFC0] =	vst v4  }
.Ltmp6:
0x5e: {  	(pc) =	sbr.rel @p1 .LBB2_16-.Ltmp6, $1  }
0x5f: {  	_ =	sdelay $0x3  }
0x60: {  	s21 =	sor.u32 s7, s20;
	s22 =	sshll.u32 s20, $0x4  }
0x61: {  	s21 =	sshll.u32 s21, $0xB;
	s22 =	sand.u32 $0x70, s22  }
0x62: {  	s21 =	sand.u32 $0xFFFC000, s21;
	s22 =	sadd.s32 s4, s22  }
0x63: {  	s23 =	simm.s32 $0x80;
	s21 =	sadd.s32 s21, s22  }
0x64: {  	s24 =	simm.s32 $0x14180;
	s22 =	simm.s32 $0x14080;
	s25 =	sadd.s32 $0x0, s21  }
.LBB2_14:
0x65: {  	[hbm4b:s25+s5] =	stream.linear.scatter [tilespmem:s22], [sflag:$0x3], $0x80, $0x38;
	[tilespmem:$0x1C000] =	vst v63  }
0x66: {  	s25 =	smov.u32 s23;
	s22 =	smov.u32 s24;
	p1 =	seq.s32 s23, $0x3F80  }
.Ltmp7:
0x67: {  	s23 =	sadd.s32 $0x80, s23;
	(pc) =	sbr.rel @!p1 .LBB2_14-.Ltmp7, $2  }
0x68: {  	_ =	sdelay $0x2  }
0x69: {  	s24 =	sadd.s32 $0x100, s24;
	s25 =	sadd.s32 s25, s21  }
.Ltmp8:
0x6a: {  	(pc) =	sbr.rel .LBB2_19-.Ltmp8, $2  }
0x6b: {  	_ =	sdelay $0x2  }
0x6c: {  	[hbm4b:s25+s5] =	stream.linear.scatter [tilespmem:s22], [sflag:$0x3], $0x80, $0x38;
	[tilespmem:$0x1C000] =	vst v63  }
.LBB2_5:
.Ltmp9:
0x6d: {  	(pc) =	sbr.rel @p1 .LBB2_9-.Ltmp9, $1  }
0x6e: {  	_ =	sdelay $0x3  }
0x6f: {  	s21 =	sor.u32 s7, s20;
	s22 =	sshll.u32 s20, $0x4  }
0x70: {  	s21 =	sshll.u32 s21, $0xB;
	s22 =	sand.u32 $0x60, s22  }
0x71: {  	s21 =	sand.u32 $0xFFFC000, s21;
	s22 =	sadd.s32 s4, s22  }
0x72: {  	s23 =	simm.s32 $0x80;
	s21 =	sadd.s32 s21, s22  }
0x73: {  	s24 =	simm.s32 $0x14100;
	s22 =	simm.s32 $0x14000;
	s25 =	sadd.s32 $0x0, s21  }
.LBB2_7:
0x74: {  	[hbm4b:s25+s5] =	stream.linear.scatter [tilespmem:s22], [sflag:$0x2], $0x80, $0x38;
	[tilespmem:$0x1C000] =	vst v63  }
0x75: {  	s25 =	smov.u32 s23;
	s22 =	smov.u32 s24;
	p1 =	seq.s32 s23, $0x3F80  }
.Ltmp10:
0x76: {  	s23 =	sadd.s32 $0x80, s23;
	(pc) =	sbr.rel @!p1 .LBB2_7-.Ltmp10, $2  }
0x77: {  	_ =	sdelay $0x2  }
0x78: {  	s24 =	sadd.s32 $0x100, s24;
	s25 =	sadd.s32 s25, s21  }
.Ltmp11:
0x79: {  	(pc) =	sbr.rel .LBB2_19-.Ltmp11, $2  }
0x7a: {  	_ =	sdelay $0x2  }
0x7b: {  	[hbm4b:s25+s5] =	stream.linear.scatter [tilespmem:s22], [sflag:$0x2], $0x80, $0x38;
	[tilespmem:$0x1C000] =	vst v63  }
.LBB2_16:
0x7c: {  	s21 =	simm.s32 $0x14080  }
0x7d: {  	s22 =	simm.s32 $0x80;
	s24 =	sadd.s32 $0x0, s9;
	s23 =	simm.s32 $0x14180  }
.LBB2_17:
0x7e: {  	[hbm4b:s24+s5] =	stream.linear.scatter [tilespmem:s21], [sflag:$0x3], $0x80, $0x38;
	[tilespmem:$0x1C000] =	vst v63  }
0x7f: {  	s24 =	smov.u32 s22;
	s21 =	smov.u32 s23;
	p1 =	sne.s32 s22, $0x3F80  }
.Ltmp12:
0x80: {  	s22 =	sadd.s32 $0x80, s22;
	(pc) =	sbr.rel @p1 .LBB2_17-.Ltmp12, $2  }
0x81: {  	_ =	sdelay $0x2  }
0x82: {  	s23 =	sadd.s32 $0x100, s23;
	s24 =	sadd.s32 s24, s9  }
.Ltmp13:
0x83: {  	(pc) =	sbr.rel .LBB2_19-.Ltmp13, $2  }
0x84: {  	_ =	sdelay $0x2  }
0x85: {  	[hbm4b:s24+s5] =	stream.linear.scatter [tilespmem:s21], [sflag:$0x3], $0x80, $0x38;
	[tilespmem:$0x1C000] =	vst v63  }
.LBB2_9:
0x86: {  	s21 =	simm.s32 $0x14000  }
0x87: {  	s22 =	simm.s32 $0x80;
	s24 =	sadd.s32 $0x0, s9;
	s23 =	simm.s32 $0x14100  }
.LBB2_10:
0x88: {  	[hbm4b:s24+s5] =	stream.linear.scatter [tilespmem:s21], [sflag:$0x2], $0x80, $0x38;
	[tilespmem:$0x1C000] =	vst v63  }
0x89: {  	s24 =	smov.u32 s22;
	s21 =	smov.u32 s23;
	p1 =	seq.s32 s22, $0x3F80  }
.Ltmp14:
0x8a: {  	s22 =	sadd.s32 $0x80, s22;
	(pc) =	sbr.rel @!p1 .LBB2_10-.Ltmp14, $2  }
0x8b: {  	_ =	sdelay $0x2  }
0x8c: {  	s23 =	sadd.s32 $0x100, s23;
	s24 =	sadd.s32 s24, s9  }
.Ltmp15:
0x8d: {  	(pc) =	sbr.rel .LBB2_19-.Ltmp15, $2  }
0x8e: {  	_ =	sdelay $0x2  }
0x8f: {  	[hbm4b:s24+s5] =	stream.linear.scatter [tilespmem:s21], [sflag:$0x2], $0x80, $0x38;
	[tilespmem:$0x1C000] =	vst v63  }
.LBB2_21:
0x90: {  	_ =	sfence.sel $0x180000  }
0x91: {  	[bflag:$0x0] =	sbarrier.arrive $0xFFFF  }
0x92: {  	p0 =	sne.s32 s2, $0x0;
	_ =	strace $0x90000047  }
0x93: {  	s0 =	sadd.s32 @!p0 $0x100000, s0;
	[bflag:$0x2] =	sbarrier.arrive $0xFFFF  }
0x94: {  	[sflag:s0] =	ssyncadd.tile.s32 @!p0 $0x1;
	_ =	shalt  }
.Lfunc_end2:
_tile_overlayer_lowered:
.L_overlay_start_2:
0x95: {  	(tag) =	ssettag $0x2  }
0x96: {  	s0 =	rddreg [dreg:$0x0];
	s2 =	stileid.u32  }
0x97: {  	s1 =	rddreg [dreg:$0x1];
	p0 =	sne.s32 s2, $0x0  }
0x98: {  	s3 =	rddreg [dreg:$0x2];
	[bflag:$0x3] =	sbarrier.arrive $0xFFFF;
	s2 =	simm.s32 @!p0 $0x1C04  }
0x99: {  	[timem:s3], [sflag:s2] =	dma.local @!p0 [hbm:s0], s1  }
0x9a: {  	s0 =	simm.s32 @!p0 $0x4  }
0x9b: {  	_ =	swait.ge @!p0 [sflag:s0], s1  }
0x9c: {  	s1 =	ssub.s32 @!p0 $0x0, s1;
	[sflag:s0] =	ssyncset.done @!p0 $0x0  }
0x9d: {  	[sflag:s0] =	ssyncadd.s32 @!p0 s1  }
0x9e: {  	[bflag:$0x3] =	sbarrier.arrive $0xFFFF  }
0x9f: {  	_ =	shalt  }

</sc_bundles>
